<compile_context>
chip_gen: v7x
topology: tpu7x:2x2x1
jax: 0.10.2.dev20260603
libtpu: 0.0.44.dev20260713+nightly
codegen_flags: <defaults>
</compile_context>

<pallas_src>
import functools

import jax
import jax.numpy as jnp
from jax import lax
from jax.experimental import pallas as pl
from jax.experimental.pallas import tpu as pltpu
from jax.experimental.pallas import tpu_sc as plsc

N = 10000
E = 320000
D = 128
H = 64
NC = 2
NS = 16
NW = NC * NS
CH = 64
NCHUNK = E // CH
NFULL = NCHUNK // NW
NEXTRA = NCHUNK - NFULL * NW
NPAD = 10240
ROWS_PER_TILE = NPAD // NS


def _node_proj_body(nf_ref, wT_ref, p_ref):
    p_ref[...] = jnp.dot(nf_ref[...], wT_ref[...],
                         preferred_element_type=jnp.float32,
                         precision=jax.lax.Precision.HIGHEST)


def _node_proj(nf, wT):
    return pl.pallas_call(
        _node_proj_body,
        out_shape=jax.ShapeDtypeStruct((N, 2 * H), jnp.float32),
    )(nf, wT)


def _edge_proj_body(ef_ref, weT_ref, b_ref, out_ref):
    out_ref[...] = (
        jnp.dot(ef_ref[...], weT_ref[...], preferred_element_type=jnp.float32,
                precision=jax.lax.Precision.HIGHEST)
        + b_ref[...]
    )


def _edge_proj(ef, weT, bm1):
    BE = 4000
    grid = E // BE
    return pl.pallas_call(
        _edge_proj_body,
        grid=(grid,),
        in_specs=[
            pl.BlockSpec((BE, 4), lambda i: (i, 0)),
            pl.BlockSpec((4, H), lambda i: (0, 0)),
            pl.BlockSpec((1, H), lambda i: (0, 0)),
        ],
        out_specs=pl.BlockSpec((BE, H), lambda i: (i, 0)),
        out_shape=jax.ShapeDtypeStruct((E, H), jnp.float32),
    )(ef, weT, bm1.reshape(1, H))


def _sc_body(p_hbm, ep_hbm, s_hbm, r_hbm, out_hbm,
             acc, sidx, ridx, hs, hr, ep, msg, sem_s, sem_r, sem_e):
    cid = lax.axis_index("c")
    sid = lax.axis_index("s")
    wid = sid * NC + cid

    def zero_row(i, _):
        for k in range(2 * H // 16):
            msg[i, pl.ds(k * 16, 16)] = jnp.zeros((16,), jnp.float32)
        return 0

    lax.fori_loop(0, CH, zero_row, 0)
    for k in range(ROWS_PER_TILE // CH):
        pltpu.sync_copy(msg, acc.at[pl.ds(sid * ROWS_PER_TILE + k * CH, CH), :])
    plsc.subcore_barrier()

    one_lane = jnp.where(lax.iota(jnp.int32, 16) == 0,
                         jnp.float32(1.0), jnp.float32(0.0))

    def one_row(i, _):
        msg[i, pl.ds(H, 16)] = one_lane
        return 0

    lax.fori_loop(0, CH, one_row, 0)

    nchunks = NFULL + jnp.where(wid < NEXTRA, 1, 0)

    def chunk_body(it, _):
        off = (it * NW + wid) * CH
        pltpu.sync_copy(s_hbm.at[pl.ds(off, CH)], sidx)
        pltpu.sync_copy(r_hbm.at[pl.ds(off, CH)], ridx)
        cp_s = pltpu.async_copy(p_hbm.at[sidx], hs, sem_s)
        cp_r = pltpu.async_copy(p_hbm.at[ridx], hr, sem_r)
        cp_e = pltpu.async_copy(ep_hbm.at[pl.ds(off, CH), :], ep, sem_e)
        cp_s.wait()
        cp_r.wait()
        cp_e.wait()

        def row(i, _):
            for k in range(H // 16):
                sl = pl.ds(k * 16, 16)
                z = hs[i, sl] + hr[i, pl.ds(H + k * 16, 16)] + ep[i, sl]
                msg[i, sl] = jnp.where(z > 0.0, z, jnp.exp(z) - 1.0)
            return 0

        lax.fori_loop(0, CH, row, 0)
        pltpu.sync_copy(msg, acc.at[ridx], add=True)
        return 0

    lax.fori_loop(0, nchunks, chunk_body, 0)
    plsc.subcore_barrier()

    pltpu.sync_copy(
        acc.at[pl.ds(sid * ROWS_PER_TILE, ROWS_PER_TILE), :],
        out_hbm.at[cid, pl.ds(sid * ROWS_PER_TILE, ROWS_PER_TILE), :],
    )


_sc_gather_scatter = functools.partial(
    pl.kernel,
    out_type=jax.ShapeDtypeStruct((NC, NPAD, 2 * H), jnp.float32),
    mesh=plsc.VectorSubcoreMesh(core_axis_name="c", subcore_axis_name="s",
                                num_cores=NC, num_subcores=NS),
    scratch_types=[
        pltpu.VMEM_SHARED((NPAD, 2 * H), jnp.float32),
        pltpu.VMEM((CH,), jnp.int32),
        pltpu.VMEM((CH,), jnp.int32),
        pltpu.VMEM((CH, 2 * H), jnp.float32),
        pltpu.VMEM((CH, 2 * H), jnp.float32),
        pltpu.VMEM((CH, H), jnp.float32),
        pltpu.VMEM((CH, 2 * H), jnp.float32),
        pltpu.SemaphoreType.DMA,
        pltpu.SemaphoreType.DMA,
        pltpu.SemaphoreType.DMA,
    ],
)(_sc_body)


def _post_body(nf_ref, p0_ref, p1_ref, wm2T_ref, wu1lT_ref, wu1rT_ref,
               bm2_ref, bu1_ref, wu2T_ref, bu2_ref, out_ref):
    p0 = p0_ref[...]
    p1 = p1_ref[...]
    s = p0[:, :H] + p1[:, :H]
    deg = p0[:, H:H + 1] + p1[:, H:H + 1]
    wcT = jnp.dot(wm2T_ref[...], wu1rT_ref[...],
                  preferred_element_type=jnp.float32,
                  precision=jax.lax.Precision.HIGHEST)
    bvec = jnp.dot(bm2_ref[...], wu1rT_ref[...],
                   preferred_element_type=jnp.float32,
                   precision=jax.lax.Precision.HIGHEST)
    u = (jnp.dot(nf_ref[...], wu1lT_ref[...],
                 preferred_element_type=jnp.float32,
                 precision=jax.lax.Precision.HIGHEST)
         + jnp.dot(s, wcT, preferred_element_type=jnp.float32,
                   precision=jax.lax.Precision.HIGHEST)
         + deg * bvec
         + bu1_ref[...])
    h2 = jnp.where(u > 0.0, u, jnp.exp(u) - 1.0)
    out_ref[...] = (jnp.dot(h2, wu2T_ref[...],
                            preferred_element_type=jnp.float32,
                            precision=jax.lax.Precision.HIGHEST)
                    + bu2_ref[...])


def _post(nf, p0, p1, wm2T, wu1lT, wu1rT, bm2, bu1, wu2T, bu2):
    BN = 1000
    grid = N // BN
    wspec = lambda shape: pl.BlockSpec(shape, lambda i: (0, 0))
    return pl.pallas_call(
        _post_body,
        grid=(grid,),
        in_specs=[
            pl.BlockSpec((BN, D), lambda i: (i, 0)),
            pl.BlockSpec((BN, 2 * H), lambda i: (i, 0)),
            pl.BlockSpec((BN, 2 * H), lambda i: (i, 0)),
            wspec((H, H)),
            wspec((D, H)),
            wspec((H, H)),
            wspec((1, H)),
            wspec((1, H)),
            wspec((H, D)),
            wspec((1, D)),
        ],
        out_specs=pl.BlockSpec((BN, D), lambda i: (i, 0)),
        out_shape=jax.ShapeDtypeStruct((N, D), jnp.float32),
    )(nf, p0, p1, wm2T, wu1lT, wu1rT, bm2.reshape(1, H), bu1.reshape(1, H),
      wu2T, bu2.reshape(1, D))


def kernel(node_features, edge_index, edge_features,
           Wm1, bm1, Wm2, bm2, Wu1, bu1, Wu2, bu2):
    senders = edge_index[0]
    receivers = edge_index[1]

    wT = jnp.concatenate([Wm1[:, :D].T, Wm1[:, D:2 * D].T], axis=1)
    weT = Wm1[:, 2 * D:].T

    p = _node_proj(node_features, wT)
    ep = _edge_proj(edge_features, weT, bm1)
    partials = _sc_gather_scatter(p, ep, senders, receivers)

    return _post(
        node_features,
        partials[0],
        partials[1],
        Wm2.T,
        Wu1[:, :D].T,
        Wu1[:, D:].T,
        bm2,
        bu1,
        Wu2.T,
        bu2,
    )

# --- scband reference (transcript-rebuilt; emitter-appended) ---
"""Pipeline reference for scband-message-passing-layer-3564822855705 (READ-ONLY COPY).

The authoritative reference and input builder live on the scoring server;
editing this copy changes nothing except your own understanding.
"""

import jax, jax.numpy as jnp
import numpy as np

N = 10000
E = 320000
NODE_DIM = 128
EDGE_DIM = 4
HIDDEN = 64


def setup_inputs(seed: int = 0) -> dict:
    key = jax.random.key(seed)
    ks = jax.random.split(key, 12)
    node_features = jax.random.normal(ks[0], (N, NODE_DIM), dtype=jnp.float32)
    edge_index = jax.random.randint(ks[1], (2, E), 0, N, dtype=jnp.int32)
    edge_features = jax.random.normal(ks[2], (E, EDGE_DIM), dtype=jnp.float32)
    # message MLP: in = 2*node_dim + edge_dim = 260 -> hidden -> hidden (depth=1)
    msg_in = 2 * NODE_DIM + EDGE_DIM
    Wm1 = jax.random.normal(ks[3], (HIDDEN, msg_in), dtype=jnp.float32) / np.sqrt(msg_in)
    bm1 = jnp.zeros((HIDDEN,), dtype=jnp.float32)
    Wm2 = jax.random.normal(ks[4], (HIDDEN, HIDDEN), dtype=jnp.float32) / np.sqrt(HIDDEN)
    bm2 = jnp.zeros((HIDDEN,), dtype=jnp.float32)
    # update MLP: in = node_dim + hidden = 192 -> hidden -> node_dim (depth=1)
    upd_in = NODE_DIM + HIDDEN
    Wu1 = jax.random.normal(ks[5], (HIDDEN, upd_in), dtype=jnp.float32) / np.sqrt(upd_in)
    bu1 = jnp.zeros((HIDDEN,), dtype=jnp.float32)
    Wu2 = jax.random.normal(ks[6], (NODE_DIM, HIDDEN), dtype=jnp.float32) / np.sqrt(HIDDEN)
    bu2 = jnp.zeros((NODE_DIM,), dtype=jnp.float32)
    return {
        "node_features": node_features,
        "edge_index": edge_index,
        "edge_features": edge_features,
        "Wm1": Wm1, "bm1": bm1, "Wm2": Wm2, "bm2": bm2,
        "Wu1": Wu1, "bu1": bu1, "Wu2": Wu2, "bu2": bu2,
    }


def reference(node_features, edge_index, edge_features, Wm1, bm1, Wm2, bm2, Wu1, bu1, Wu2, bu2):
    senders = edge_index[0]
    receivers = edge_index[1]
    h_senders = jnp.take(node_features, senders, axis=0)
    h_receivers = jnp.take(node_features, receivers, axis=0)
    msg_input = jnp.concatenate([h_senders, h_receivers, edge_features], axis=-1)
    h = jax.nn.elu(msg_input @ Wm1.T + bm1)
    messages = h @ Wm2.T + bm2
    num_nodes = node_features.shape[0]
    aggregated = jax.ops.segment_sum(messages, receivers, num_segments=num_nodes)
    update_input = jnp.concatenate([node_features, aggregated], axis=-1)
    h2 = jax.nn.elu(update_input @ Wu1.T + bu1)
    updated = h2 @ Wu2.T + bu2
    return updated

if __name__ == "__main__":
    import jax
    _d = setup_inputs()
    print(jax.jit(kernel)(*tuple(_d.values())))

</pallas_src>

<mosaic_0001>
#map = affine_map<(d0, d1) -> (0, 0)>
#map1 = affine_map<(d0, d1) -> (0)>
#map2 = affine_map<(d0, d1) -> (0, 0, 0)>
module attributes {stable_mosaic.version = 14 : i64} {
  func.func @_sc_body(%arg0: i32, %arg1: i32, %arg2: memref<10000x128xf32, #tpu.memory_space<hbm>>, %arg3: memref<320000x64xf32, #tpu.memory_space<hbm>>, %arg4: memref<320000xi32, #tpu.memory_space<hbm>>, %arg5: memref<320000xi32, #tpu.memory_space<hbm>>, %arg6: memref<2x10240x128xf32, #tpu.memory_space<hbm>>, %arg7: memref<10240x128xf32, #tpu.memory_space<vmem_shared>>, %arg8: memref<64xi32, #tpu.memory_space<vmem>>, %arg9: memref<64xi32, #tpu.memory_space<vmem>>, %arg10: memref<64x128xf32, #tpu.memory_space<vmem>>, %arg11: memref<64x128xf32, #tpu.memory_space<vmem>>, %arg12: memref<64x64xf32, #tpu.memory_space<vmem>>, %arg13: memref<64x128xf32, #tpu.memory_space<vmem>>, %arg14: memref<!tpu.dma_semaphore, #tpu.memory_space<semaphore_mem>>, %arg15: memref<!tpu.dma_semaphore, #tpu.memory_space<semaphore_mem>>, %arg16: memref<!tpu.dma_semaphore, #tpu.memory_space<semaphore_mem>>) attributes {dimension_semantics = [#tpu.dimension_semantics<core_parallel>, #tpu.dimension_semantics<subcore_parallel>], iteration_bounds = array<i64: 2, 16>, scalar_prefetch = 0 : i64, scratch_operands = 10 : i64, tpu.core_type = #tpu.core_type<sc_vector_subcore>, window_params = [{transform_indices = #map}, {transform_indices = #map}, {transform_indices = #map1}, {transform_indices = #map1}, {transform_indices = #map2}]} {
    %mul3A = arith.constant 2 : i32
    %mul3A_0 = arith.muli %arg1, %mul3A : i32
    %add3A = arith.addi %mul3A_0, %arg0 : i32
    %scan3A = arith.constant 0 : i32
    %scan3A_1 = arith.constant 0 : i32
    %scan3A_2 = arith.constant 64 : i32
    %scan3A_3 = arith.addi %scan3A_1, %scan3A_2 : i32
    %scan3A_4 = arith.constant 1 : i32
    %scan3A_5 = scf.for %scan3A_80 = %scan3A_1 to %scan3A_3 step %scan3A_4 iter_args(%scan3A_81 = %scan3A) -> (i32)  : i32 {
      %broadcast_in_dim3A_82 = arith.constant 0.000000e+00 : f32
      %broadcast_in_dim3A_83 = vector.broadcast %broadcast_in_dim3A_82 : f32 to vector<16xf32>
      %swap3A = arith.index_cast %scan3A_80 : i32 to index
      %swap3A_84 = arith.constant 0 : index
      %swap3A_85 = tpu.vector_load %arg13[%swap3A, %swap3A_84] {strides = array<i32>} : memref<64x128xf32, #tpu.memory_space<vmem>>, vector<1x16xf32>,
      %swap3A_86 = vector.shape_cast %swap3A_85 : vector<1x16xf32> to vector<16xf32>
      %swap3A_87 = vector.shape_cast %broadcast_in_dim3A_83 : vector<16xf32> to vector<1x16xf32>
      tpu.vector_store %arg13[%swap3A, %swap3A_84], %swap3A_87 {strides = array<i32>} : memref<64x128xf32, #tpu.memory_space<vmem>>, vector<1x16xf32>,
      %broadcast_in_dim3A_88 = arith.constant 0.000000e+00 : f32
      %broadcast_in_dim3A_89 = vector.broadcast %broadcast_in_dim3A_88 : f32 to vector<16xf32>
      %swap3A_90 = arith.index_cast %scan3A_80 : i32 to index
      %swap3A_91 = arith.constant 16 : index
      %swap3A_92 = tpu.vector_load %arg13[%swap3A_90, %swap3A_91] {strides = array<i32>} : memref<64x128xf32, #tpu.memory_space<vmem>>, vector<1x16xf32>,
      %swap3A_93 = vector.shape_cast %swap3A_92 : vector<1x16xf32> to vector<16xf32>
      %swap3A_94 = vector.shape_cast %broadcast_in_dim3A_89 : vector<16xf32> to vector<1x16xf32>
      tpu.vector_store %arg13[%swap3A_90, %swap3A_91], %swap3A_94 {strides = array<i32>} : memref<64x128xf32, #tpu.memory_space<vmem>>, vector<1x16xf32>,
      %broadcast_in_dim3A_95 = arith.constant 0.000000e+00 : f32
      %broadcast_in_dim3A_96 = vector.broadcast %broadcast_in_dim3A_95 : f32 to vector<16xf32>
      %swap3A_97 = arith.index_cast %scan3A_80 : i32 to index
      %swap3A_98 = arith.constant 32 : index
      %swap3A_99 = tpu.vector_load %arg13[%swap3A_97, %swap3A_98] {strides = array<i32>} : memref<64x128xf32, #tpu.memory_space<vmem>>, vector<1x16xf32>,
      %swap3A_100 = vector.shape_cast %swap3A_99 : vector<1x16xf32> to vector<16xf32>
      %swap3A_101 = vector.shape_cast %broadcast_in_dim3A_96 : vector<16xf32> to vector<1x16xf32>
      tpu.vector_store %arg13[%swap3A_97, %swap3A_98], %swap3A_101 {strides = array<i32>} : memref<64x128xf32, #tpu.memory_space<vmem>>, vector<1x16xf32>,
      %broadcast_in_dim3A_102 = arith.constant 0.000000e+00 : f32
      %broadcast_in_dim3A_103 = vector.broadcast %broadcast_in_dim3A_102 : f32 to vector<16xf32>
      %swap3A_104 = arith.index_cast %scan3A_80 : i32 to index
      %swap3A_105 = arith.constant 48 : index
      %swap3A_106 = tpu.vector_load %arg13[%swap3A_104, %swap3A_105] {strides = array<i32>} : memref<64x128xf32, #tpu.memory_space<vmem>>, vector<1x16xf32>,
      %swap3A_107 = vector.shape_cast %swap3A_106 : vector<1x16xf32> to vector<16xf32>
      %swap3A_108 = vector.shape_cast %broadcast_in_dim3A_103 : vector<16xf32> to vector<1x16xf32>
      tpu.vector_store %arg13[%swap3A_104, %swap3A_105], %swap3A_108 {strides = array<i32>} : memref<64x128xf32, #tpu.memory_space<vmem>>, vector<1x16xf32>,
      %broadcast_in_dim3A_109 = arith.constant 0.000000e+00 : f32
      %broadcast_in_dim3A_110 = vector.broadcast %broadcast_in_dim3A_109 : f32 to vector<16xf32>
      %swap3A_111 = arith.index_cast %scan3A_80 : i32 to index
      %swap3A_112 = arith.constant 64 : index
      %swap3A_113 = tpu.vector_load %arg13[%swap3A_111, %swap3A_112] {strides = array<i32>} : memref<64x128xf32, #tpu.memory_space<vmem>>, vector<1x16xf32>,
      %swap3A_114 = vector.shape_cast %swap3A_113 : vector<1x16xf32> to vector<16xf32>
      %swap3A_115 = vector.shape_cast %broadcast_in_dim3A_110 : vector<16xf32> to vector<1x16xf32>
      tpu.vector_store %arg13[%swap3A_111, %swap3A_112], %swap3A_115 {strides = array<i32>} : memref<64x128xf32, #tpu.memory_space<vmem>>, vector<1x16xf32>,
      %broadcast_in_dim3A_116 = arith.constant 0.000000e+00 : f32
      %broadcast_in_dim3A_117 = vector.broadcast %broadcast_in_dim3A_116 : f32 to vector<16xf32>
      %swap3A_118 = arith.index_cast %scan3A_80 : i32 to index
      %swap3A_119 = arith.constant 80 : index
      %swap3A_120 = tpu.vector_load %arg13[%swap3A_118, %swap3A_119] {strides = array<i32>} : memref<64x128xf32, #tpu.memory_space<vmem>>, vector<1x16xf32>,
      %swap3A_121 = vector.shape_cast %swap3A_120 : vector<1x16xf32> to vector<16xf32>
      %swap3A_122 = vector.shape_cast %broadcast_in_dim3A_117 : vector<16xf32> to vector<1x16xf32>
      tpu.vector_store %arg13[%swap3A_118, %swap3A_119], %swap3A_122 {strides = array<i32>} : memref<64x128xf32, #tpu.memory_space<vmem>>, vector<1x16xf32>,
      %broadcast_in_dim3A_123 = arith.constant 0.000000e+00 : f32
      %broadcast_in_dim3A_124 = vector.broadcast %broadcast_in_dim3A_123 : f32 to vector<16xf32>
      %swap3A_125 = arith.index_cast %scan3A_80 : i32 to index
      %swap3A_126 = arith.constant 96 : index
      %swap3A_127 = tpu.vector_load %arg13[%swap3A_125, %swap3A_126] {strides = array<i32>} : memref<64x128xf32, #tpu.memory_space<vmem>>, vector<1x16xf32>,
      %swap3A_128 = vector.shape_cast %swap3A_127 : vector<1x16xf32> to vector<16xf32>
      %swap3A_129 = vector.shape_cast %broadcast_in_dim3A_124 : vector<16xf32> to vector<1x16xf32>
      tpu.vector_store %arg13[%swap3A_125, %swap3A_126], %swap3A_129 {strides = array<i32>} : memref<64x128xf32, #tpu.memory_space<vmem>>, vector<1x16xf32>,
      %broadcast_in_dim3A_130 = arith.constant 0.000000e+00 : f32
      %broadcast_in_dim3A_131 = vector.broadcast %broadcast_in_dim3A_130 : f32 to vector<16xf32>
      %swap3A_132 = arith.index_cast %scan3A_80 : i32 to index
      %swap3A_133 = arith.constant 112 : index
      %swap3A_134 = tpu.vector_load %arg13[%swap3A_132, %swap3A_133] {strides = array<i32>} : memref<64x128xf32, #tpu.memory_space<vmem>>, vector<1x16xf32>,
      %swap3A_135 = vector.shape_cast %swap3A_134 : vector<1x16xf32> to vector<16xf32>
      %swap3A_136 = vector.shape_cast %broadcast_in_dim3A_131 : vector<16xf32> to vector<1x16xf32>
      tpu.vector_store %arg13[%swap3A_132, %swap3A_133], %swap3A_136 {strides = array<i32>} : memref<64x128xf32, #tpu.memory_space<vmem>>, vector<1x16xf32>,
      %scan3A_137 = arith.constant 0 : i32
      scf.yield %scan3A_137 : i32
    }
    %scan3A_6 = arith.constant 64 : i32
    %mul3A_7 = arith.constant 640 : i32
    %mul3A_8 = arith.muli %arg1, %mul3A_7 : i32
    %add3A_9 = arith.constant 0 : i32
    %add3A_10 = arith.addi %mul3A_8, %add3A_9 : i32
    "tpu.region"() ({
      %run_scoped3A = tpu.sem_alloc : memref<!tpu.dma_semaphore, #tpu.memory_space<semaphore_mem>>
      %dma_start3A = arith.constant 0 : i32
      %dma_start3A_80 = tpu.memref_slice %arg7[%add3A_10, %dma_start3A] : memref<10240x128xf32, #tpu.memory_space<vmem_shared>> -> memref<64x128xf32, #tpu.memory_space<vmem_shared>>
      %dma_start3A_81 = arith.constant 0 : i32
      %dma_start3A_82 = tpu.memref_slice %arg7[%add3A_10, %dma_start3A_81] : memref<10240x128xf32, #tpu.memory_space<vmem_shared>> -> memref<64x128xf32, #tpu.memory_space<vmem_shared>>
      tpu.enqueue_dma source(%arg13 : memref<64x128xf32, #tpu.memory_space<vmem>>) target(%dma_start3A_82 : memref<64x128xf32, #tpu.memory_space<vmem_shared>>) target_semaphore(%run_scoped3A : memref<!tpu.dma_semaphore, #tpu.memory_space<semaphore_mem>>)
      %dma_wait3A = arith.constant 0 : i32
      %dma_wait3A_83 = tpu.memref_slice %arg7[%add3A_10, %dma_wait3A] : memref<10240x128xf32, #tpu.memory_space<vmem_shared>> -> memref<64x128xf32, #tpu.memory_space<vmem_shared>>
      %dma_wait3A_84 = arith.constant 0 : i32
      %dma_wait3A_85 = tpu.memref_slice %arg7[%add3A_10, %dma_wait3A_84] : memref<10240x128xf32, #tpu.memory_space<vmem_shared>> -> memref<64x128xf32, #tpu.memory_space<vmem_shared>>
      tpu.wait_dma2 semaphore(%run_scoped3A : memref<!tpu.dma_semaphore, #tpu.memory_space<semaphore_mem>>) src(%arg13 : memref<64x128xf32, #tpu.memory_space<vmem>>) dst(%dma_wait3A_85 : memref<64x128xf32, #tpu.memory_space<vmem_shared>>)
      tpu.yield
    }) : () -> ()
    %mul3A_11 = arith.constant 640 : i32
    %mul3A_12 = arith.muli %arg1, %mul3A_11 : i32
    %add3A_13 = arith.constant 64 : i32
    %add3A_14 = arith.addi %mul3A_12, %add3A_13 : i32
    "tpu.region"() ({
      %run_scoped3A = tpu.sem_alloc : memref<!tpu.dma_semaphore, #tpu.memory_space<semaphore_mem>>
      %dma_start3A = arith.constant 0 : i32
      %dma_start3A_80 = tpu.memref_slice %arg7[%add3A_14, %dma_start3A] : memref<10240x128xf32, #tpu.memory_space<vmem_shared>> -> memref<64x128xf32, #tpu.memory_space<vmem_shared>>
      %dma_start3A_81 = arith.constant 0 : i32
      %dma_start3A_82 = tpu.memref_slice %arg7[%add3A_14, %dma_start3A_81] : memref<10240x128xf32, #tpu.memory_space<vmem_shared>> -> memref<64x128xf32, #tpu.memory_space<vmem_shared>>
      tpu.enqueue_dma source(%arg13 : memref<64x128xf32, #tpu.memory_space<vmem>>) target(%dma_start3A_82 : memref<64x128xf32, #tpu.memory_space<vmem_shared>>) target_semaphore(%run_scoped3A : memref<!tpu.dma_semaphore, #tpu.memory_space<semaphore_mem>>)
      %dma_wait3A = arith.constant 0 : i32
      %dma_wait3A_83 = tpu.memref_slice %arg7[%add3A_14, %dma_wait3A] : memref<10240x128xf32, #tpu.memory_space<vmem_shared>> -> memref<64x128xf32, #tpu.memory_space<vmem_shared>>
      %dma_wait3A_84 = arith.constant 0 : i32
      %dma_wait3A_85 = tpu.memref_slice %arg7[%add3A_14, %dma_wait3A_84] : memref<10240x128xf32, #tpu.memory_space<vmem_shared>> -> memref<64x128xf32, #tpu.memory_space<vmem_shared>>
      tpu.wait_dma2 semaphore(%run_scoped3A : memref<!tpu.dma_semaphore, #tpu.memory_space<semaphore_mem>>) src(%arg13 : memref<64x128xf32, #tpu.memory_space<vmem>>) dst(%dma_wait3A_85 : memref<64x128xf32, #tpu.memory_space<vmem_shared>>)
      tpu.yield
    }) : () -> ()
    %mul3A_15 = arith.constant 640 : i32
    %mul3A_16 = arith.muli %arg1, %mul3A_15 : i32
    %add3A_17 = arith.constant 128 : i32
    %add3A_18 = arith.addi %mul3A_16, %add3A_17 : i32
    "tpu.region"() ({
      %run_scoped3A = tpu.sem_alloc : memref<!tpu.dma_semaphore, #tpu.memory_space<semaphore_mem>>
      %dma_start3A = arith.constant 0 : i32
      %dma_start3A_80 = tpu.memref_slice %arg7[%add3A_18, %dma_start3A] : memref<10240x128xf32, #tpu.memory_space<vmem_shared>> -> memref<64x128xf32, #tpu.memory_space<vmem_shared>>
      %dma_start3A_81 = arith.constant 0 : i32
      %dma_start3A_82 = tpu.memref_slice %arg7[%add3A_18, %dma_start3A_81] : memref<10240x128xf32, #tpu.memory_space<vmem_shared>> -> memref<64x128xf32, #tpu.memory_space<vmem_shared>>
      tpu.enqueue_dma source(%arg13 : memref<64x128xf32, #tpu.memory_space<vmem>>) target(%dma_start3A_82 : memref<64x128xf32, #tpu.memory_space<vmem_shared>>) target_semaphore(%run_scoped3A : memref<!tpu.dma_semaphore, #tpu.memory_space<semaphore_mem>>)
      %dma_wait3A = arith.constant 0 : i32
      %dma_wait3A_83 = tpu.memref_slice %arg7[%add3A_18, %dma_wait3A] : memref<10240x128xf32, #tpu.memory_space<vmem_shared>> -> memref<64x128xf32, #tpu.memory_space<vmem_shared>>
      %dma_wait3A_84 = arith.constant 0 : i32
      %dma_wait3A_85 = tpu.memref_slice %arg7[%add3A_18, %dma_wait3A_84] : memref<10240x128xf32, #tpu.memory_space<vmem_shared>> -> memref<64x128xf32, #tpu.memory_space<vmem_shared>>
      tpu.wait_dma2 semaphore(%run_scoped3A : memref<!tpu.dma_semaphore, #tpu.memory_space<semaphore_mem>>) src(%arg13 : memref<64x128xf32, #tpu.memory_space<vmem>>) dst(%dma_wait3A_85 : memref<64x128xf32, #tpu.memory_space<vmem_shared>>)
      tpu.yield
    }) : () -> ()
    %mul3A_19 = arith.constant 640 : i32
    %mul3A_20 = arith.muli %arg1, %mul3A_19 : i32
    %add3A_21 = arith.constant 192 : i32
    %add3A_22 = arith.addi %mul3A_20, %add3A_21 : i32
    "tpu.region"() ({
      %run_scoped3A = tpu.sem_alloc : memref<!tpu.dma_semaphore, #tpu.memory_space<semaphore_mem>>
      %dma_start3A = arith.constant 0 : i32
      %dma_start3A_80 = tpu.memref_slice %arg7[%add3A_22, %dma_start3A] : memref<10240x128xf32, #tpu.memory_space<vmem_shared>> -> memref<64x128xf32, #tpu.memory_space<vmem_shared>>
      %dma_start3A_81 = arith.constant 0 : i32
      %dma_start3A_82 = tpu.memref_slice %arg7[%add3A_22, %dma_start3A_81] : memref<10240x128xf32, #tpu.memory_space<vmem_shared>> -> memref<64x128xf32, #tpu.memory_space<vmem_shared>>
      tpu.enqueue_dma source(%arg13 : memref<64x128xf32, #tpu.memory_space<vmem>>) target(%dma_start3A_82 : memref<64x128xf32, #tpu.memory_space<vmem_shared>>) target_semaphore(%run_scoped3A : memref<!tpu.dma_semaphore, #tpu.memory_space<semaphore_mem>>)
      %dma_wait3A = arith.constant 0 : i32
      %dma_wait3A_83 = tpu.memref_slice %arg7[%add3A_22, %dma_wait3A] : memref<10240x128xf32, #tpu.memory_space<vmem_shared>> -> memref<64x128xf32, #tpu.memory_space<vmem_shared>>
      %dma_wait3A_84 = arith.constant 0 : i32
      %dma_wait3A_85 = tpu.memref_slice %arg7[%add3A_22, %dma_wait3A_84] : memref<10240x128xf32, #tpu.memory_space<vmem_shared>> -> memref<64x128xf32, #tpu.memory_space<vmem_shared>>
      tpu.wait_dma2 semaphore(%run_scoped3A : memref<!tpu.dma_semaphore, #tpu.memory_space<semaphore_mem>>) src(%arg13 : memref<64x128xf32, #tpu.memory_space<vmem>>) dst(%dma_wait3A_85 : memref<64x128xf32, #tpu.memory_space<vmem_shared>>)
      tpu.yield
    }) : () -> ()
    %mul3A_23 = arith.constant 640 : i32
    %mul3A_24 = arith.muli %arg1, %mul3A_23 : i32
    %add3A_25 = arith.constant 256 : i32
    %add3A_26 = arith.addi %mul3A_24, %add3A_25 : i32
    "tpu.region"() ({
      %run_scoped3A = tpu.sem_alloc : memref<!tpu.dma_semaphore, #tpu.memory_space<semaphore_mem>>
      %dma_start3A = arith.constant 0 : i32
      %dma_start3A_80 = tpu.memref_slice %arg7[%add3A_26, %dma_start3A] : memref<10240x128xf32, #tpu.memory_space<vmem_shared>> -> memref<64x128xf32, #tpu.memory_space<vmem_shared>>
      %dma_start3A_81 = arith.constant 0 : i32
      %dma_start3A_82 = tpu.memref_slice %arg7[%add3A_26, %dma_start3A_81] : memref<10240x128xf32, #tpu.memory_space<vmem_shared>> -> memref<64x128xf32, #tpu.memory_space<vmem_shared>>
      tpu.enqueue_dma source(%arg13 : memref<64x128xf32, #tpu.memory_space<vmem>>) target(%dma_start3A_82 : memref<64x128xf32, #tpu.memory_space<vmem_shared>>) target_semaphore(%run_scoped3A : memref<!tpu.dma_semaphore, #tpu.memory_space<semaphore_mem>>)
      %dma_wait3A = arith.constant 0 : i32
      %dma_wait3A_83 = tpu.memref_slice %arg7[%add3A_26, %dma_wait3A] : memref<10240x128xf32, #tpu.memory_space<vmem_shared>> -> memref<64x128xf32, #tpu.memory_space<vmem_shared>>
      %dma_wait3A_84 = arith.constant 0 : i32
      %dma_wait3A_85 = tpu.memref_slice %arg7[%add3A_26, %dma_wait3A_84] : memref<10240x128xf32, #tpu.memory_space<vmem_shared>> -> memref<64x128xf32, #tpu.memory_space<vmem_shared>>
      tpu.wait_dma2 semaphore(%run_scoped3A : memref<!tpu.dma_semaphore, #tpu.memory_space<semaphore_mem>>) src(%arg13 : memref<64x128xf32, #tpu.memory_space<vmem>>) dst(%dma_wait3A_85 : memref<64x128xf32, #tpu.memory_space<vmem_shared>>)
      tpu.yield
    }) : () -> ()
    %mul3A_27 = arith.constant 640 : i32
    %mul3A_28 = arith.muli %arg1, %mul3A_27 : i32
    %add3A_29 = arith.constant 320 : i32
    %add3A_30 = arith.addi %mul3A_28, %add3A_29 : i32
    "tpu.region"() ({
      %run_scoped3A = tpu.sem_alloc : memref<!tpu.dma_semaphore, #tpu.memory_space<semaphore_mem>>
      %dma_start3A = arith.constant 0 : i32
      %dma_start3A_80 = tpu.memref_slice %arg7[%add3A_30, %dma_start3A] : memref<10240x128xf32, #tpu.memory_space<vmem_shared>> -> memref<64x128xf32, #tpu.memory_space<vmem_shared>>
      %dma_start3A_81 = arith.constant 0 : i32
      %dma_start3A_82 = tpu.memref_slice %arg7[%add3A_30, %dma_start3A_81] : memref<10240x128xf32, #tpu.memory_space<vmem_shared>> -> memref<64x128xf32, #tpu.memory_space<vmem_shared>>
      tpu.enqueue_dma source(%arg13 : memref<64x128xf32, #tpu.memory_space<vmem>>) target(%dma_start3A_82 : memref<64x128xf32, #tpu.memory_space<vmem_shared>>) target_semaphore(%run_scoped3A : memref<!tpu.dma_semaphore, #tpu.memory_space<semaphore_mem>>)
      %dma_wait3A = arith.constant 0 : i32
      %dma_wait3A_83 = tpu.memref_slice %arg7[%add3A_30, %dma_wait3A] : memref<10240x128xf32, #tpu.memory_space<vmem_shared>> -> memref<64x128xf32, #tpu.memory_space<vmem_shared>>
      %dma_wait3A_84 = arith.constant 0 : i32
      %dma_wait3A_85 = tpu.memref_slice %arg7[%add3A_30, %dma_wait3A_84] : memref<10240x128xf32, #tpu.memory_space<vmem_shared>> -> memref<64x128xf32, #tpu.memory_space<vmem_shared>>
      tpu.wait_dma2 semaphore(%run_scoped3A : memref<!tpu.dma_semaphore, #tpu.memory_space<semaphore_mem>>) src(%arg13 : memref<64x128xf32, #tpu.memory_space<vmem>>) dst(%dma_wait3A_85 : memref<64x128xf32, #tpu.memory_space<vmem_shared>>)
      tpu.yield
    }) : () -> ()
    %mul3A_31 = arith.constant 640 : i32
    %mul3A_32 = arith.muli %arg1, %mul3A_31 : i32
    %add3A_33 = arith.constant 384 : i32
    %add3A_34 = arith.addi %mul3A_32, %add3A_33 : i32
    "tpu.region"() ({
      %run_scoped3A = tpu.sem_alloc : memref<!tpu.dma_semaphore, #tpu.memory_space<semaphore_mem>>
      %dma_start3A = arith.constant 0 : i32
      %dma_start3A_80 = tpu.memref_slice %arg7[%add3A_34, %dma_start3A] : memref<10240x128xf32, #tpu.memory_space<vmem_shared>> -> memref<64x128xf32, #tpu.memory_space<vmem_shared>>
      %dma_start3A_81 = arith.constant 0 : i32
      %dma_start3A_82 = tpu.memref_slice %arg7[%add3A_34, %dma_start3A_81] : memref<10240x128xf32, #tpu.memory_space<vmem_shared>> -> memref<64x128xf32, #tpu.memory_space<vmem_shared>>
      tpu.enqueue_dma source(%arg13 : memref<64x128xf32, #tpu.memory_space<vmem>>) target(%dma_start3A_82 : memref<64x128xf32, #tpu.memory_space<vmem_shared>>) target_semaphore(%run_scoped3A : memref<!tpu.dma_semaphore, #tpu.memory_space<semaphore_mem>>)
      %dma_wait3A = arith.constant 0 : i32
      %dma_wait3A_83 = tpu.memref_slice %arg7[%add3A_34, %dma_wait3A] : memref<10240x128xf32, #tpu.memory_space<vmem_shared>> -> memref<64x128xf32, #tpu.memory_space<vmem_shared>>
      %dma_wait3A_84 = arith.constant 0 : i32
      %dma_wait3A_85 = tpu.memref_slice %arg7[%add3A_34, %dma_wait3A_84] : memref<10240x128xf32, #tpu.memory_space<vmem_shared>> -> memref<64x128xf32, #tpu.memory_space<vmem_shared>>
      tpu.wait_dma2 semaphore(%run_scoped3A : memref<!tpu.dma_semaphore, #tpu.memory_space<semaphore_mem>>) src(%arg13 : memref<64x128xf32, #tpu.memory_space<vmem>>) dst(%dma_wait3A_85 : memref<64x128xf32, #tpu.memory_space<vmem_shared>>)
      tpu.yield
    }) : () -> ()
    %mul3A_35 = arith.constant 640 : i32
    %mul3A_36 = arith.muli %arg1, %mul3A_35 : i32
    %add3A_37 = arith.constant 448 : i32
    %add3A_38 = arith.addi %mul3A_36, %add3A_37 : i32
    "tpu.region"() ({
      %run_scoped3A = tpu.sem_alloc : memref<!tpu.dma_semaphore, #tpu.memory_space<semaphore_mem>>
      %dma_start3A = arith.constant 0 : i32
      %dma_start3A_80 = tpu.memref_slice %arg7[%add3A_38, %dma_start3A] : memref<10240x128xf32, #tpu.memory_space<vmem_shared>> -> memref<64x128xf32, #tpu.memory_space<vmem_shared>>
      %dma_start3A_81 = arith.constant 0 : i32
      %dma_start3A_82 = tpu.memref_slice %arg7[%add3A_38, %dma_start3A_81] : memref<10240x128xf32, #tpu.memory_space<vmem_shared>> -> memref<64x128xf32, #tpu.memory_space<vmem_shared>>
      tpu.enqueue_dma source(%arg13 : memref<64x128xf32, #tpu.memory_space<vmem>>) target(%dma_start3A_82 : memref<64x128xf32, #tpu.memory_space<vmem_shared>>) target_semaphore(%run_scoped3A : memref<!tpu.dma_semaphore, #tpu.memory_space<semaphore_mem>>)
      %dma_wait3A = arith.constant 0 : i32
      %dma_wait3A_83 = tpu.memref_slice %arg7[%add3A_38, %dma_wait3A] : memref<10240x128xf32, #tpu.memory_space<vmem_shared>> -> memref<64x128xf32, #tpu.memory_space<vmem_shared>>
      %dma_wait3A_84 = arith.constant 0 : i32
      %dma_wait3A_85 = tpu.memref_slice %arg7[%add3A_38, %dma_wait3A_84] : memref<10240x128xf32, #tpu.memory_space<vmem_shared>> -> memref<64x128xf32, #tpu.memory_space<vmem_shared>>
      tpu.wait_dma2 semaphore(%run_scoped3A : memref<!tpu.dma_semaphore, #tpu.memory_space<semaphore_mem>>) src(%arg13 : memref<64x128xf32, #tpu.memory_space<vmem>>) dst(%dma_wait3A_85 : memref<64x128xf32, #tpu.memory_space<vmem_shared>>)
      tpu.yield
    }) : () -> ()
    %mul3A_39 = arith.constant 640 : i32
    %mul3A_40 = arith.muli %arg1, %mul3A_39 : i32
    %add3A_41 = arith.constant 512 : i32
    %add3A_42 = arith.addi %mul3A_40, %add3A_41 : i32
    "tpu.region"() ({
      %run_scoped3A = tpu.sem_alloc : memref<!tpu.dma_semaphore, #tpu.memory_space<semaphore_mem>>
      %dma_start3A = arith.constant 0 : i32
      %dma_start3A_80 = tpu.memref_slice %arg7[%add3A_42, %dma_start3A] : memref<10240x128xf32, #tpu.memory_space<vmem_shared>> -> memref<64x128xf32, #tpu.memory_space<vmem_shared>>
      %dma_start3A_81 = arith.constant 0 : i32
      %dma_start3A_82 = tpu.memref_slice %arg7[%add3A_42, %dma_start3A_81] : memref<10240x128xf32, #tpu.memory_space<vmem_shared>> -> memref<64x128xf32, #tpu.memory_space<vmem_shared>>
      tpu.enqueue_dma source(%arg13 : memref<64x128xf32, #tpu.memory_space<vmem>>) target(%dma_start3A_82 : memref<64x128xf32, #tpu.memory_space<vmem_shared>>) target_semaphore(%run_scoped3A : memref<!tpu.dma_semaphore, #tpu.memory_space<semaphore_mem>>)
      %dma_wait3A = arith.constant 0 : i32
      %dma_wait3A_83 = tpu.memref_slice %arg7[%add3A_42, %dma_wait3A] : memref<10240x128xf32, #tpu.memory_space<vmem_shared>> -> memref<64x128xf32, #tpu.memory_space<vmem_shared>>
      %dma_wait3A_84 = arith.constant 0 : i32
      %dma_wait3A_85 = tpu.memref_slice %arg7[%add3A_42, %dma_wait3A_84] : memref<10240x128xf32, #tpu.memory_space<vmem_shared>> -> memref<64x128xf32, #tpu.memory_space<vmem_shared>>
      tpu.wait_dma2 semaphore(%run_scoped3A : memref<!tpu.dma_semaphore, #tpu.memory_space<semaphore_mem>>) src(%arg13 : memref<64x128xf32, #tpu.memory_space<vmem>>) dst(%dma_wait3A_85 : memref<64x128xf32, #tpu.memory_space<vmem_shared>>)
      tpu.yield
    }) : () -> ()
    %mul3A_43 = arith.constant 640 : i32
    %mul3A_44 = arith.muli %arg1, %mul3A_43 : i32
    %add3A_45 = arith.constant 576 : i32
    %add3A_46 = arith.addi %mul3A_44, %add3A_45 : i32
    "tpu.region"() ({
      %run_scoped3A = tpu.sem_alloc : memref<!tpu.dma_semaphore, #tpu.memory_space<semaphore_mem>>
      %dma_start3A = arith.constant 0 : i32
      %dma_start3A_80 = tpu.memref_slice %arg7[%add3A_46, %dma_start3A] : memref<10240x128xf32, #tpu.memory_space<vmem_shared>> -> memref<64x128xf32, #tpu.memory_space<vmem_shared>>
      %dma_start3A_81 = arith.constant 0 : i32
      %dma_start3A_82 = tpu.memref_slice %arg7[%add3A_46, %dma_start3A_81] : memref<10240x128xf32, #tpu.memory_space<vmem_shared>> -> memref<64x128xf32, #tpu.memory_space<vmem_shared>>
      tpu.enqueue_dma source(%arg13 : memref<64x128xf32, #tpu.memory_space<vmem>>) target(%dma_start3A_82 : memref<64x128xf32, #tpu.memory_space<vmem_shared>>) target_semaphore(%run_scoped3A : memref<!tpu.dma_semaphore, #tpu.memory_space<semaphore_mem>>)
      %dma_wait3A = arith.constant 0 : i32
      %dma_wait3A_83 = tpu.memref_slice %arg7[%add3A_46, %dma_wait3A] : memref<10240x128xf32, #tpu.memory_space<vmem_shared>> -> memref<64x128xf32, #tpu.memory_space<vmem_shared>>
      %dma_wait3A_84 = arith.constant 0 : i32
      %dma_wait3A_85 = tpu.memref_slice %arg7[%add3A_46, %dma_wait3A_84] : memref<10240x128xf32, #tpu.memory_space<vmem_shared>> -> memref<64x128xf32, #tpu.memory_space<vmem_shared>>
      tpu.wait_dma2 semaphore(%run_scoped3A : memref<!tpu.dma_semaphore, #tpu.memory_space<semaphore_mem>>) src(%arg13 : memref<64x128xf32, #tpu.memory_space<vmem>>) dst(%dma_wait3A_85 : memref<64x128xf32, #tpu.memory_space<vmem_shared>>)
      tpu.yield
    }) : () -> ()
    %barrier3A = arith.constant 0 : index
    tpu.barrier barrier_id(%barrier3A)
    %iota3A = tpu.iota {dimensions = array<i32: 0>} : vector<16xi32>
    %eq3A = arith.constant 0 : i32
    %eq3A_47 = vector.broadcast %eq3A : i32 to vector<16xi32>
    %eq3A_48 = arith.cmpi eq, %iota3A, %eq3A_47 : vector<16xi32>
    %jit3A = arith.constant 1.000000e+00 : f32
    %jit3A_49 = arith.constant 0.000000e+00 : f32
    %broadcast_in_dim3A = vector.broadcast %jit3A : f32 to vector<16xf32>
    %broadcast_in_dim3A_50 = vector.broadcast %jit3A_49 : f32 to vector<16xf32>
    %select_n3A = arith.select %eq3A_48, %broadcast_in_dim3A, %broadcast_in_dim3A_50 : vector<16xi1>, vector<16xf32>
    %scan3A_51 = arith.constant 0 : i32
    %scan3A_52 = arith.constant 0 : i32
    %scan3A_53 = arith.constant 64 : i32
    %scan3A_54 = arith.addi %scan3A_52, %scan3A_53 : i32
    %scan3A_55 = arith.constant 1 : i32
    %scan3A_56 = scf.for %scan3A_80 = %scan3A_52 to %scan3A_54 step %scan3A_55 iter_args(%scan3A_81 = %scan3A_51) -> (i32)  : i32 {
      %swap3A = arith.index_cast %scan3A_80 : i32 to index
      %swap3A_82 = arith.constant 64 : index
      %swap3A_83 = tpu.vector_load %arg13[%swap3A, %swap3A_82] {strides = array<i32>} : memref<64x128xf32, #tpu.memory_space<vmem>>, vector<1x16xf32>,
      %swap3A_84 = vector.shape_cast %swap3A_83 : vector<1x16xf32> to vector<16xf32>
      %swap3A_85 = vector.shape_cast %select_n3A : vector<16xf32> to vector<1x16xf32>
      tpu.vector_store %arg13[%swap3A, %swap3A_82], %swap3A_85 {strides = array<i32>} : memref<64x128xf32, #tpu.memory_space<vmem>>, vector<1x16xf32>,
      %scan3A_86 = arith.constant 0 : i32
      scf.yield %scan3A_86 : i32
    }
    %scan3A_57 = arith.constant 64 : i32
    %lt3A = arith.constant 8 : i32
    %lt3A_58 = arith.cmpi slt, %add3A, %lt3A : i32
    %jit3A_59 = arith.constant 1 : i32
    %jit3A_60 = arith.constant 0 : i32
    %select_n3A_61 = arith.select %lt3A_58, %jit3A_59, %jit3A_60 : i32
    %add3A_62 = arith.constant 156 : i32
    %add3A_63 = arith.addi %add3A_62, %select_n3A_61 : i32
    %while3A = arith.constant 0 : i32
    %while3A_64 = arith.constant 0 : i32
    %while3A_65 = arith.subi %add3A_63, %while3A : i32
    %while3A_66 = arith.addi %while3A, %while3A_65 : i32
    %while3A_67 = arith.constant 1 : i32
    %while3A_68 = arith.divsi %while3A_65, %while3A_67 : i32
    %while3A_69 = arith.muli %while3A_68, %while3A_67 : i32
    %while3A_70 = arith.addi %while3A, %while3A_69 : i32
    %while3A_71 = arith.constant 1 : i32
    %while3A_72 = scf.for %while3A_80 = %while3A to %while3A_70 step %while3A_71 iter_args(%while3A_81 = %while3A_64) -> (i32)  : i32 {
      %mul3A_82 = arith.constant 32 : i32
      %mul3A_83 = arith.muli %while3A_80, %mul3A_82 : i32
      %add3A_84 = arith.addi %mul3A_83, %add3A : i32
      %mul3A_85 = arith.constant 64 : i32
      %mul3A_86 = arith.muli %add3A_84, %mul3A_85 : i32
      "tpu.region"() ({
        %run_scoped3A = tpu.sem_alloc : memref<!tpu.dma_semaphore, #tpu.memory_space<semaphore_mem>>
        %dma_start3A_113 = tpu.memref_slice %arg4[%mul3A_86] : memref<320000xi32, #tpu.memory_space<hbm>> -> memref<64xi32, #tpu.memory_space<hbm>>
        %dma_start3A_114 = tpu.memref_slice %arg4[%mul3A_86] : memref<320000xi32, #tpu.memory_space<hbm>> -> memref<64xi32, #tpu.memory_space<hbm>>
        tpu.enqueue_dma source(%dma_start3A_114 : memref<64xi32, #tpu.memory_space<hbm>>) target(%arg8 : memref<64xi32, #tpu.memory_space<vmem>>) target_semaphore(%run_scoped3A : memref<!tpu.dma_semaphore, #tpu.memory_space<semaphore_mem>>)
        %dma_wait3A_115 = tpu.memref_slice %arg4[%mul3A_86] : memref<320000xi32, #tpu.memory_space<hbm>> -> memref<64xi32, #tpu.memory_space<hbm>>
        %dma_wait3A_116 = tpu.memref_slice %arg4[%mul3A_86] : memref<320000xi32, #tpu.memory_space<hbm>> -> memref<64xi32, #tpu.memory_space<hbm>>
        tpu.wait_dma2 semaphore(%run_scoped3A : memref<!tpu.dma_semaphore, #tpu.memory_space<semaphore_mem>>) src(%dma_wait3A_116 : memref<64xi32, #tpu.memory_space<hbm>>) dst(%arg8 : memref<64xi32, #tpu.memory_space<vmem>>)
        tpu.yield
      }) : () -> ()
      "tpu.region"() ({
        %run_scoped3A = tpu.sem_alloc : memref<!tpu.dma_semaphore, #tpu.memory_space<semaphore_mem>>
        %dma_start3A_113 = tpu.memref_slice %arg5[%mul3A_86] : memref<320000xi32, #tpu.memory_space<hbm>> -> memref<64xi32, #tpu.memory_space<hbm>>
        %dma_start3A_114 = tpu.memref_slice %arg5[%mul3A_86] : memref<320000xi32, #tpu.memory_space<hbm>> -> memref<64xi32, #tpu.memory_space<hbm>>
        tpu.enqueue_dma source(%dma_start3A_114 : memref<64xi32, #tpu.memory_space<hbm>>) target(%arg9 : memref<64xi32, #tpu.memory_space<vmem>>) target_semaphore(%run_scoped3A : memref<!tpu.dma_semaphore, #tpu.memory_space<semaphore_mem>>)
        %dma_wait3A_115 = tpu.memref_slice %arg5[%mul3A_86] : memref<320000xi32, #tpu.memory_space<hbm>> -> memref<64xi32, #tpu.memory_space<hbm>>
        %dma_wait3A_116 = tpu.memref_slice %arg5[%mul3A_86] : memref<320000xi32, #tpu.memory_space<hbm>> -> memref<64xi32, #tpu.memory_space<hbm>>
        tpu.wait_dma2 semaphore(%run_scoped3A : memref<!tpu.dma_semaphore, #tpu.memory_space<semaphore_mem>>) src(%dma_wait3A_116 : memref<64xi32, #tpu.memory_space<hbm>>) dst(%arg9 : memref<64xi32, #tpu.memory_space<vmem>>)
        tpu.yield
      }) : () -> ()
      %dma_start3A = arith.constant 0 : i32
      %dma_start3A_87 = arith.constant 0 : i32
      %dma_start3A_88 = tpu.memref_slice %arg2[%dma_start3A, %dma_start3A_87] : memref<10000x128xf32, #tpu.memory_space<hbm>> -> memref<10000x128xf32, #tpu.memory_space<hbm>>
      tpu.enqueue_indirect_dma source(%dma_start3A_88 : memref<10000x128xf32, #tpu.memory_space<hbm>>) target(%arg10 : memref<64x128xf32, #tpu.memory_space<vmem>>) offsets(%arg8 : memref<64xi32, #tpu.memory_space<vmem>>) semaphore(%arg14 : memref<!tpu.dma_semaphore, #tpu.memory_space<semaphore_mem>>)
      %dma_start3A_89 = arith.constant 0 : i32
      %dma_start3A_90 = arith.constant 0 : i32
      %dma_start3A_91 = tpu.memref_slice %arg2[%dma_start3A_89, %dma_start3A_90] : memref<10000x128xf32, #tpu.memory_space<hbm>> -> memref<10000x128xf32, #tpu.memory_space<hbm>>
      tpu.enqueue_indirect_dma source(%dma_start3A_91 : memref<10000x128xf32, #tpu.memory_space<hbm>>) target(%arg11 : memref<64x128xf32, #tpu.memory_space<vmem>>) offsets(%arg9 : memref<64xi32, #tpu.memory_space<vmem>>) semaphore(%arg15 : memref<!tpu.dma_semaphore, #tpu.memory_space<semaphore_mem>>)
      %dma_start3A_92 = arith.constant 0 : i32
      %dma_start3A_93 = tpu.memref_slice %arg3[%mul3A_86, %dma_start3A_92] : memref<320000x64xf32, #tpu.memory_space<hbm>> -> memref<64x64xf32, #tpu.memory_space<hbm>>
      %dma_start3A_94 = arith.constant 0 : i32
      %dma_start3A_95 = tpu.memref_slice %arg3[%mul3A_86, %dma_start3A_94] : memref<320000x64xf32, #tpu.memory_space<hbm>> -> memref<64x64xf32, #tpu.memory_space<hbm>>
      tpu.enqueue_dma source(%dma_start3A_95 : memref<64x64xf32, #tpu.memory_space<hbm>>) target(%arg12 : memref<64x64xf32, #tpu.memory_space<vmem>>) target_semaphore(%arg16 : memref<!tpu.dma_semaphore, #tpu.memory_space<semaphore_mem>>)
      %dma_wait3A = arith.constant 0 : i32
      %dma_wait3A_96 = arith.constant 0 : i32
      %dma_wait3A_97 = tpu.memref_slice %arg2[%dma_wait3A, %dma_wait3A_96] : memref<10000x128xf32, #tpu.memory_space<hbm>> -> memref<10000x128xf32, #tpu.memory_space<hbm>>
      tpu.wait_indirect_dma semaphore(%arg14 : memref<!tpu.dma_semaphore, #tpu.memory_space<semaphore_mem>>) src(%dma_wait3A_97 : memref<10000x128xf32, #tpu.memory_space<hbm>>) dst(%arg10 : memref<64x128xf32, #tpu.memory_space<vmem>>)
      %dma_wait3A_98 = arith.constant 0 : i32
      %dma_wait3A_99 = arith.constant 0 : i32
      %dma_wait3A_100 = tpu.memref_slice %arg2[%dma_wait3A_98, %dma_wait3A_99] : memref<10000x128xf32, #tpu.memory_space<hbm>> -> memref<10000x128xf32, #tpu.memory_space<hbm>>
      tpu.wait_indirect_dma semaphore(%arg15 : memref<!tpu.dma_semaphore, #tpu.memory_space<semaphore_mem>>) src(%dma_wait3A_100 : memref<10000x128xf32, #tpu.memory_space<hbm>>) dst(%arg11 : memref<64x128xf32, #tpu.memory_space<vmem>>)
      %dma_wait3A_101 = arith.constant 0 : i32
      %dma_wait3A_102 = tpu.memref_slice %arg3[%mul3A_86, %dma_wait3A_101] : memref<320000x64xf32, #tpu.memory_space<hbm>> -> memref<64x64xf32, #tpu.memory_space<hbm>>
      %dma_wait3A_103 = arith.constant 0 : i32
      %dma_wait3A_104 = tpu.memref_slice %arg3[%mul3A_86, %dma_wait3A_103] : memref<320000x64xf32, #tpu.memory_space<hbm>> -> memref<64x64xf32, #tpu.memory_space<hbm>>
      tpu.wait_dma2 semaphore(%arg16 : memref<!tpu.dma_semaphore, #tpu.memory_space<semaphore_mem>>) src(%dma_wait3A_104 : memref<64x64xf32, #tpu.memory_space<hbm>>) dst(%arg12 : memref<64x64xf32, #tpu.memory_space<vmem>>)
      %scan3A_105 = arith.constant 0 : i32
      %scan3A_106 = arith.constant 0 : i32
      %scan3A_107 = arith.constant 64 : i32
      %scan3A_108 = arith.addi %scan3A_106, %scan3A_107 : i32
      %scan3A_109 = arith.constant 1 : i32
      %scan3A_110 = scf.for %scan3A_113 = %scan3A_106 to %scan3A_108 step %scan3A_109 iter_args(%scan3A_114 = %scan3A_105) -> (i32)  : i32 {
        %get3A = arith.index_cast %scan3A_113 : i32 to index
        %get3A_115 = arith.constant 0 : index
        %get3A_116 = tpu.vector_load %arg10[%get3A, %get3A_115] {strides = array<i32>} : memref<64x128xf32, #tpu.memory_space<vmem>>, vector<1x16xf32>,
        %get3A_117 = vector.shape_cast %get3A_116 : vector<1x16xf32> to vector<16xf32>
        %get3A_118 = arith.index_cast %scan3A_113 : i32 to index
        %get3A_119 = arith.constant 64 : index
        %get3A_120 = tpu.vector_load %arg11[%get3A_118, %get3A_119] {strides = array<i32>} : memref<64x128xf32, #tpu.memory_space<vmem>>, vector<1x16xf32>,
        %get3A_121 = vector.shape_cast %get3A_120 : vector<1x16xf32> to vector<16xf32>
        %add3A_122 = arith.addf %get3A_117, %get3A_121 : vector<16xf32>
        %get3A_123 = arith.index_cast %scan3A_113 : i32 to index
        %get3A_124 = arith.constant 0 : index
        %get3A_125 = tpu.vector_load %arg12[%get3A_123, %get3A_124] {strides = array<i32>} : memref<64x64xf32, #tpu.memory_space<vmem>>, vector<1x16xf32>,
        %get3A_126 = vector.shape_cast %get3A_125 : vector<1x16xf32> to vector<16xf32>
        %add3A_127 = arith.addf %add3A_122, %get3A_126 : vector<16xf32>
        %gt3A = arith.constant 0.000000e+00 : f32
        %gt3A_128 = vector.broadcast %gt3A : f32 to vector<16xf32>
        %gt3A_129 = arith.cmpf ogt, %add3A_127, %gt3A_128 : vector<16xf32>
        %exp3A = math.exp %add3A_127 : vector<16xf32>
        %sub3A = arith.constant 1.000000e+00 : f32
        %sub3A_130 = vector.broadcast %sub3A : f32 to vector<16xf32>
        %sub3A_131 = arith.subf %exp3A, %sub3A_130 : vector<16xf32>
        %select_n3A_132 = arith.select %gt3A_129, %add3A_127, %sub3A_131 : vector<16xi1>, vector<16xf32>
        %swap3A = arith.index_cast %scan3A_113 : i32 to index
        %swap3A_133 = arith.constant 0 : index
        %swap3A_134 = tpu.vector_load %arg13[%swap3A, %swap3A_133] {strides = array<i32>} : memref<64x128xf32, #tpu.memory_space<vmem>>, vector<1x16xf32>,
        %swap3A_135 = vector.shape_cast %swap3A_134 : vector<1x16xf32> to vector<16xf32>
        %swap3A_136 = vector.shape_cast %select_n3A_132 : vector<16xf32> to vector<1x16xf32>
        tpu.vector_store %arg13[%swap3A, %swap3A_133], %swap3A_136 {strides = array<i32>} : memref<64x128xf32, #tpu.memory_space<vmem>>, vector<1x16xf32>,
        %get3A_137 = arith.index_cast %scan3A_113 : i32 to index
        %get3A_138 = arith.constant 16 : index
        %get3A_139 = tpu.vector_load %arg10[%get3A_137, %get3A_138] {strides = array<i32>} : memref<64x128xf32, #tpu.memory_space<vmem>>, vector<1x16xf32>,
        %get3A_140 = vector.shape_cast %get3A_139 : vector<1x16xf32> to vector<16xf32>
        %get3A_141 = arith.index_cast %scan3A_113 : i32 to index
        %get3A_142 = arith.constant 80 : index
        %get3A_143 = tpu.vector_load %arg11[%get3A_141, %get3A_142] {strides = array<i32>} : memref<64x128xf32, #tpu.memory_space<vmem>>, vector<1x16xf32>,
        %get3A_144 = vector.shape_cast %get3A_143 : vector<1x16xf32> to vector<16xf32>
        %add3A_145 = arith.addf %get3A_140, %get3A_144 : vector<16xf32>
        %get3A_146 = arith.index_cast %scan3A_113 : i32 to index
        %get3A_147 = arith.constant 16 : index
        %get3A_148 = tpu.vector_load %arg12[%get3A_146, %get3A_147] {strides = array<i32>} : memref<64x64xf32, #tpu.memory_space<vmem>>, vector<1x16xf32>,
        %get3A_149 = vector.shape_cast %get3A_148 : vector<1x16xf32> to vector<16xf32>
        %add3A_150 = arith.addf %add3A_145, %get3A_149 : vector<16xf32>
        %gt3A_151 = arith.constant 0.000000e+00 : f32
        %gt3A_152 = vector.broadcast %gt3A_151 : f32 to vector<16xf32>
        %gt3A_153 = arith.cmpf ogt, %add3A_150, %gt3A_152 : vector<16xf32>
        %exp3A_154 = math.exp %add3A_150 : vector<16xf32>
        %sub3A_155 = arith.constant 1.000000e+00 : f32
        %sub3A_156 = vector.broadcast %sub3A_155 : f32 to vector<16xf32>
        %sub3A_157 = arith.subf %exp3A_154, %sub3A_156 : vector<16xf32>
        %select_n3A_158 = arith.select %gt3A_153, %add3A_150, %sub3A_157 : vector<16xi1>, vector<16xf32>
        %swap3A_159 = arith.index_cast %scan3A_113 : i32 to index
        %swap3A_160 = arith.constant 16 : index
        %swap3A_161 = tpu.vector_load %arg13[%swap3A_159, %swap3A_160] {strides = array<i32>} : memref<64x128xf32, #tpu.memory_space<vmem>>, vector<1x16xf32>,
        %swap3A_162 = vector.shape_cast %swap3A_161 : vector<1x16xf32> to vector<16xf32>
        %swap3A_163 = vector.shape_cast %select_n3A_158 : vector<16xf32> to vector<1x16xf32>
        tpu.vector_store %arg13[%swap3A_159, %swap3A_160], %swap3A_163 {strides = array<i32>} : memref<64x128xf32, #tpu.memory_space<vmem>>, vector<1x16xf32>,
        %get3A_164 = arith.index_cast %scan3A_113 : i32 to index
        %get3A_165 = arith.constant 32 : index
        %get3A_166 = tpu.vector_load %arg10[%get3A_164, %get3A_165] {strides = array<i32>} : memref<64x128xf32, #tpu.memory_space<vmem>>, vector<1x16xf32>,
        %get3A_167 = vector.shape_cast %get3A_166 : vector<1x16xf32> to vector<16xf32>
        %get3A_168 = arith.index_cast %scan3A_113 : i32 to index
        %get3A_169 = arith.constant 96 : index
        %get3A_170 = tpu.vector_load %arg11[%get3A_168, %get3A_169] {strides = array<i32>} : memref<64x128xf32, #tpu.memory_space<vmem>>, vector<1x16xf32>,
        %get3A_171 = vector.shape_cast %get3A_170 : vector<1x16xf32> to vector<16xf32>
        %add3A_172 = arith.addf %get3A_167, %get3A_171 : vector<16xf32>
        %get3A_173 = arith.index_cast %scan3A_113 : i32 to index
        %get3A_174 = arith.constant 32 : index
        %get3A_175 = tpu.vector_load %arg12[%get3A_173, %get3A_174] {strides = array<i32>} : memref<64x64xf32, #tpu.memory_space<vmem>>, vector<1x16xf32>,
        %get3A_176 = vector.shape_cast %get3A_175 : vector<1x16xf32> to vector<16xf32>
        %add3A_177 = arith.addf %add3A_172, %get3A_176 : vector<16xf32>
        %gt3A_178 = arith.constant 0.000000e+00 : f32
        %gt3A_179 = vector.broadcast %gt3A_178 : f32 to vector<16xf32>
        %gt3A_180 = arith.cmpf ogt, %add3A_177, %gt3A_179 : vector<16xf32>
        %exp3A_181 = math.exp %add3A_177 : vector<16xf32>
        %sub3A_182 = arith.constant 1.000000e+00 : f32
        %sub3A_183 = vector.broadcast %sub3A_182 : f32 to vector<16xf32>
        %sub3A_184 = arith.subf %exp3A_181, %sub3A_183 : vector<16xf32>
        %select_n3A_185 = arith.select %gt3A_180, %add3A_177, %sub3A_184 : vector<16xi1>, vector<16xf32>
        %swap3A_186 = arith.index_cast %scan3A_113 : i32 to index
        %swap3A_187 = arith.constant 32 : index
        %swap3A_188 = tpu.vector_load %arg13[%swap3A_186, %swap3A_187] {strides = array<i32>} : memref<64x128xf32, #tpu.memory_space<vmem>>, vector<1x16xf32>,
        %swap3A_189 = vector.shape_cast %swap3A_188 : vector<1x16xf32> to vector<16xf32>
        %swap3A_190 = vector.shape_cast %select_n3A_185 : vector<16xf32> to vector<1x16xf32>
        tpu.vector_store %arg13[%swap3A_186, %swap3A_187], %swap3A_190 {strides = array<i32>} : memref<64x128xf32, #tpu.memory_space<vmem>>, vector<1x16xf32>,
        %get3A_191 = arith.index_cast %scan3A_113 : i32 to index
        %get3A_192 = arith.constant 48 : index
        %get3A_193 = tpu.vector_load %arg10[%get3A_191, %get3A_192] {strides = array<i32>} : memref<64x128xf32, #tpu.memory_space<vmem>>, vector<1x16xf32>,
        %get3A_194 = vector.shape_cast %get3A_193 : vector<1x16xf32> to vector<16xf32>
        %get3A_195 = arith.index_cast %scan3A_113 : i32 to index
        %get3A_196 = arith.constant 112 : index
        %get3A_197 = tpu.vector_load %arg11[%get3A_195, %get3A_196] {strides = array<i32>} : memref<64x128xf32, #tpu.memory_space<vmem>>, vector<1x16xf32>,
        %get3A_198 = vector.shape_cast %get3A_197 : vector<1x16xf32> to vector<16xf32>
        %add3A_199 = arith.addf %get3A_194, %get3A_198 : vector<16xf32>
        %get3A_200 = arith.index_cast %scan3A_113 : i32 to index
        %get3A_201 = arith.constant 48 : index
        %get3A_202 = tpu.vector_load %arg12[%get3A_200, %get3A_201] {strides = array<i32>} : memref<64x64xf32, #tpu.memory_space<vmem>>, vector<1x16xf32>,
        %get3A_203 = vector.shape_cast %get3A_202 : vector<1x16xf32> to vector<16xf32>
        %add3A_204 = arith.addf %add3A_199, %get3A_203 : vector<16xf32>
        %gt3A_205 = arith.constant 0.000000e+00 : f32
        %gt3A_206 = vector.broadcast %gt3A_205 : f32 to vector<16xf32>
        %gt3A_207 = arith.cmpf ogt, %add3A_204, %gt3A_206 : vector<16xf32>
        %exp3A_208 = math.exp %add3A_204 : vector<16xf32>
        %sub3A_209 = arith.constant 1.000000e+00 : f32
        %sub3A_210 = vector.broadcast %sub3A_209 : f32 to vector<16xf32>
        %sub3A_211 = arith.subf %exp3A_208, %sub3A_210 : vector<16xf32>
        %select_n3A_212 = arith.select %gt3A_207, %add3A_204, %sub3A_211 : vector<16xi1>, vector<16xf32>
        %swap3A_213 = arith.index_cast %scan3A_113 : i32 to index
        %swap3A_214 = arith.constant 48 : index
        %swap3A_215 = tpu.vector_load %arg13[%swap3A_213, %swap3A_214] {strides = array<i32>} : memref<64x128xf32, #tpu.memory_space<vmem>>, vector<1x16xf32>,
        %swap3A_216 = vector.shape_cast %swap3A_215 : vector<1x16xf32> to vector<16xf32>
        %swap3A_217 = vector.shape_cast %select_n3A_212 : vector<16xf32> to vector<1x16xf32>
        tpu.vector_store %arg13[%swap3A_213, %swap3A_214], %swap3A_217 {strides = array<i32>} : memref<64x128xf32, #tpu.memory_space<vmem>>, vector<1x16xf32>,
        %scan3A_218 = arith.constant 0 : i32
        scf.yield %scan3A_218 : i32
      }
      %scan3A_111 = arith.constant 64 : i32
      "tpu.region"() ({
        %run_scoped3A = tpu.sem_alloc : memref<!tpu.dma_semaphore, #tpu.memory_space<semaphore_mem>>
        %dma_start3A_113 = arith.constant 0 : i32
        %dma_start3A_114 = arith.constant 0 : i32
        %dma_start3A_115 = tpu.memref_slice %arg7[%dma_start3A_113, %dma_start3A_114] : memref<10240x128xf32, #tpu.memory_space<vmem_shared>> -> memref<10240x128xf32, #tpu.memory_space<vmem_shared>>
        tpu.enqueue_indirect_dma source(%arg13 : memref<64x128xf32, #tpu.memory_space<vmem>>) target(%dma_start3A_115 : memref<10240x128xf32, #tpu.memory_space<vmem_shared>>) offsets(%arg9 : memref<64xi32, #tpu.memory_space<vmem>>) semaphore(%run_scoped3A : memref<!tpu.dma_semaphore, #tpu.memory_space<semaphore_mem>>) {add = true}
        %dma_wait3A_116 = arith.constant 0 : i32
        %dma_wait3A_117 = arith.constant 0 : i32
        %dma_wait3A_118 = tpu.memref_slice %arg7[%dma_wait3A_116, %dma_wait3A_117] : memref<10240x128xf32, #tpu.memory_space<vmem_shared>> -> memref<10240x128xf32, #tpu.memory_space<vmem_shared>>
        tpu.wait_indirect_dma semaphore(%run_scoped3A : memref<!tpu.dma_semaphore, #tpu.memory_space<semaphore_mem>>) src(%arg13 : memref<64x128xf32, #tpu.memory_space<vmem>>) dst(%dma_wait3A_118 : memref<10240x128xf32, #tpu.memory_space<vmem_shared>>)
        tpu.yield
      }) : () -> ()
      %while3A_112 = arith.constant 0 : i32
      scf.yield %while3A_112 : i32
    }
    %while3A_73 = arith.constant 1 : i32
    %while3A_74 = scf.for %while3A_80 = %while3A_70 to %while3A_66 step %while3A_73 iter_args(%while3A_81 = %while3A_72) -> (i32)  : i32 {
      %mul3A_82 = arith.constant 32 : i32
      %mul3A_83 = arith.muli %while3A_80, %mul3A_82 : i32
      %add3A_84 = arith.addi %mul3A_83, %add3A : i32
      %mul3A_85 = arith.constant 64 : i32
      %mul3A_86 = arith.muli %add3A_84, %mul3A_85 : i32
      "tpu.region"() ({
        %run_scoped3A = tpu.sem_alloc : memref<!tpu.dma_semaphore, #tpu.memory_space<semaphore_mem>>
        %dma_start3A_113 = tpu.memref_slice %arg4[%mul3A_86] : memref<320000xi32, #tpu.memory_space<hbm>> -> memref<64xi32, #tpu.memory_space<hbm>>
        %dma_start3A_114 = tpu.memref_slice %arg4[%mul3A_86] : memref<320000xi32, #tpu.memory_space<hbm>> -> memref<64xi32, #tpu.memory_space<hbm>>
        tpu.enqueue_dma source(%dma_start3A_114 : memref<64xi32, #tpu.memory_space<hbm>>) target(%arg8 : memref<64xi32, #tpu.memory_space<vmem>>) target_semaphore(%run_scoped3A : memref<!tpu.dma_semaphore, #tpu.memory_space<semaphore_mem>>)
        %dma_wait3A_115 = tpu.memref_slice %arg4[%mul3A_86] : memref<320000xi32, #tpu.memory_space<hbm>> -> memref<64xi32, #tpu.memory_space<hbm>>
        %dma_wait3A_116 = tpu.memref_slice %arg4[%mul3A_86] : memref<320000xi32, #tpu.memory_space<hbm>> -> memref<64xi32, #tpu.memory_space<hbm>>
        tpu.wait_dma2 semaphore(%run_scoped3A : memref<!tpu.dma_semaphore, #tpu.memory_space<semaphore_mem>>) src(%dma_wait3A_116 : memref<64xi32, #tpu.memory_space<hbm>>) dst(%arg8 : memref<64xi32, #tpu.memory_space<vmem>>)
        tpu.yield
      }) : () -> ()
      "tpu.region"() ({
        %run_scoped3A = tpu.sem_alloc : memref<!tpu.dma_semaphore, #tpu.memory_space<semaphore_mem>>
        %dma_start3A_113 = tpu.memref_slice %arg5[%mul3A_86] : memref<320000xi32, #tpu.memory_space<hbm>> -> memref<64xi32, #tpu.memory_space<hbm>>
        %dma_start3A_114 = tpu.memref_slice %arg5[%mul3A_86] : memref<320000xi32, #tpu.memory_space<hbm>> -> memref<64xi32, #tpu.memory_space<hbm>>
        tpu.enqueue_dma source(%dma_start3A_114 : memref<64xi32, #tpu.memory_space<hbm>>) target(%arg9 : memref<64xi32, #tpu.memory_space<vmem>>) target_semaphore(%run_scoped3A : memref<!tpu.dma_semaphore, #tpu.memory_space<semaphore_mem>>)
        %dma_wait3A_115 = tpu.memref_slice %arg5[%mul3A_86] : memref<320000xi32, #tpu.memory_space<hbm>> -> memref<64xi32, #tpu.memory_space<hbm>>
        %dma_wait3A_116 = tpu.memref_slice %arg5[%mul3A_86] : memref<320000xi32, #tpu.memory_space<hbm>> -> memref<64xi32, #tpu.memory_space<hbm>>
        tpu.wait_dma2 semaphore(%run_scoped3A : memref<!tpu.dma_semaphore, #tpu.memory_space<semaphore_mem>>) src(%dma_wait3A_116 : memref<64xi32, #tpu.memory_space<hbm>>) dst(%arg9 : memref<64xi32, #tpu.memory_space<vmem>>)
        tpu.yield
      }) : () -> ()
      %dma_start3A = arith.constant 0 : i32
      %dma_start3A_87 = arith.constant 0 : i32
      %dma_start3A_88 = tpu.memref_slice %arg2[%dma_start3A, %dma_start3A_87] : memref<10000x128xf32, #tpu.memory_space<hbm>> -> memref<10000x128xf32, #tpu.memory_space<hbm>>
      tpu.enqueue_indirect_dma source(%dma_start3A_88 : memref<10000x128xf32, #tpu.memory_space<hbm>>) target(%arg10 : memref<64x128xf32, #tpu.memory_space<vmem>>) offsets(%arg8 : memref<64xi32, #tpu.memory_space<vmem>>) semaphore(%arg14 : memref<!tpu.dma_semaphore, #tpu.memory_space<semaphore_mem>>)
      %dma_start3A_89 = arith.constant 0 : i32
      %dma_start3A_90 = arith.constant 0 : i32
      %dma_start3A_91 = tpu.memref_slice %arg2[%dma_start3A_89, %dma_start3A_90] : memref<10000x128xf32, #tpu.memory_space<hbm>> -> memref<10000x128xf32, #tpu.memory_space<hbm>>
      tpu.enqueue_indirect_dma source(%dma_start3A_91 : memref<10000x128xf32, #tpu.memory_space<hbm>>) target(%arg11 : memref<64x128xf32, #tpu.memory_space<vmem>>) offsets(%arg9 : memref<64xi32, #tpu.memory_space<vmem>>) semaphore(%arg15 : memref<!tpu.dma_semaphore, #tpu.memory_space<semaphore_mem>>)
      %dma_start3A_92 = arith.constant 0 : i32
      %dma_start3A_93 = tpu.memref_slice %arg3[%mul3A_86, %dma_start3A_92] : memref<320000x64xf32, #tpu.memory_space<hbm>> -> memref<64x64xf32, #tpu.memory_space<hbm>>
      %dma_start3A_94 = arith.constant 0 : i32
      %dma_start3A_95 = tpu.memref_slice %arg3[%mul3A_86, %dma_start3A_94] : memref<320000x64xf32, #tpu.memory_space<hbm>> -> memref<64x64xf32, #tpu.memory_space<hbm>>
      tpu.enqueue_dma source(%dma_start3A_95 : memref<64x64xf32, #tpu.memory_space<hbm>>) target(%arg12 : memref<64x64xf32, #tpu.memory_space<vmem>>) target_semaphore(%arg16 : memref<!tpu.dma_semaphore, #tpu.memory_space<semaphore_mem>>)
      %dma_wait3A = arith.constant 0 : i32
      %dma_wait3A_96 = arith.constant 0 : i32
      %dma_wait3A_97 = tpu.memref_slice %arg2[%dma_wait3A, %dma_wait3A_96] : memref<10000x128xf32, #tpu.memory_space<hbm>> -> memref<10000x128xf32, #tpu.memory_space<hbm>>
      tpu.wait_indirect_dma semaphore(%arg14 : memref<!tpu.dma_semaphore, #tpu.memory_space<semaphore_mem>>) src(%dma_wait3A_97 : memref<10000x128xf32, #tpu.memory_space<hbm>>) dst(%arg10 : memref<64x128xf32, #tpu.memory_space<vmem>>)
      %dma_wait3A_98 = arith.constant 0 : i32
      %dma_wait3A_99 = arith.constant 0 : i32
      %dma_wait3A_100 = tpu.memref_slice %arg2[%dma_wait3A_98, %dma_wait3A_99] : memref<10000x128xf32, #tpu.memory_space<hbm>> -> memref<10000x128xf32, #tpu.memory_space<hbm>>
      tpu.wait_indirect_dma semaphore(%arg15 : memref<!tpu.dma_semaphore, #tpu.memory_space<semaphore_mem>>) src(%dma_wait3A_100 : memref<10000x128xf32, #tpu.memory_space<hbm>>) dst(%arg11 : memref<64x128xf32, #tpu.memory_space<vmem>>)
      %dma_wait3A_101 = arith.constant 0 : i32
      %dma_wait3A_102 = tpu.memref_slice %arg3[%mul3A_86, %dma_wait3A_101] : memref<320000x64xf32, #tpu.memory_space<hbm>> -> memref<64x64xf32, #tpu.memory_space<hbm>>
      %dma_wait3A_103 = arith.constant 0 : i32
      %dma_wait3A_104 = tpu.memref_slice %arg3[%mul3A_86, %dma_wait3A_103] : memref<320000x64xf32, #tpu.memory_space<hbm>> -> memref<64x64xf32, #tpu.memory_space<hbm>>
      tpu.wait_dma2 semaphore(%arg16 : memref<!tpu.dma_semaphore, #tpu.memory_space<semaphore_mem>>) src(%dma_wait3A_104 : memref<64x64xf32, #tpu.memory_space<hbm>>) dst(%arg12 : memref<64x64xf32, #tpu.memory_space<vmem>>)
      %scan3A_105 = arith.constant 0 : i32
      %scan3A_106 = arith.constant 0 : i32
      %scan3A_107 = arith.constant 64 : i32
      %scan3A_108 = arith.addi %scan3A_106, %scan3A_107 : i32
      %scan3A_109 = arith.constant 1 : i32
      %scan3A_110 = scf.for %scan3A_113 = %scan3A_106 to %scan3A_108 step %scan3A_109 iter_args(%scan3A_114 = %scan3A_105) -> (i32)  : i32 {
        %get3A = arith.index_cast %scan3A_113 : i32 to index
        %get3A_115 = arith.constant 0 : index
        %get3A_116 = tpu.vector_load %arg10[%get3A, %get3A_115] {strides = array<i32>} : memref<64x128xf32, #tpu.memory_space<vmem>>, vector<1x16xf32>,
        %get3A_117 = vector.shape_cast %get3A_116 : vector<1x16xf32> to vector<16xf32>
        %get3A_118 = arith.index_cast %scan3A_113 : i32 to index
        %get3A_119 = arith.constant 64 : index
        %get3A_120 = tpu.vector_load %arg11[%get3A_118, %get3A_119] {strides = array<i32>} : memref<64x128xf32, #tpu.memory_space<vmem>>, vector<1x16xf32>,
        %get3A_121 = vector.shape_cast %get3A_120 : vector<1x16xf32> to vector<16xf32>
        %add3A_122 = arith.addf %get3A_117, %get3A_121 : vector<16xf32>
        %get3A_123 = arith.index_cast %scan3A_113 : i32 to index
        %get3A_124 = arith.constant 0 : index
        %get3A_125 = tpu.vector_load %arg12[%get3A_123, %get3A_124] {strides = array<i32>} : memref<64x64xf32, #tpu.memory_space<vmem>>, vector<1x16xf32>,
        %get3A_126 = vector.shape_cast %get3A_125 : vector<1x16xf32> to vector<16xf32>
        %add3A_127 = arith.addf %add3A_122, %get3A_126 : vector<16xf32>
        %gt3A = arith.constant 0.000000e+00 : f32
        %gt3A_128 = vector.broadcast %gt3A : f32 to vector<16xf32>
        %gt3A_129 = arith.cmpf ogt, %add3A_127, %gt3A_128 : vector<16xf32>
        %exp3A = math.exp %add3A_127 : vector<16xf32>
        %sub3A = arith.constant 1.000000e+00 : f32
        %sub3A_130 = vector.broadcast %sub3A : f32 to vector<16xf32>
        %sub3A_131 = arith.subf %exp3A, %sub3A_130 : vector<16xf32>
        %select_n3A_132 = arith.select %gt3A_129, %add3A_127, %sub3A_131 : vector<16xi1>, vector<16xf32>
        %swap3A = arith.index_cast %scan3A_113 : i32 to index
        %swap3A_133 = arith.constant 0 : index
        %swap3A_134 = tpu.vector_load %arg13[%swap3A, %swap3A_133] {strides = array<i32>} : memref<64x128xf32, #tpu.memory_space<vmem>>, vector<1x16xf32>,
        %swap3A_135 = vector.shape_cast %swap3A_134 : vector<1x16xf32> to vector<16xf32>
        %swap3A_136 = vector.shape_cast %select_n3A_132 : vector<16xf32> to vector<1x16xf32>
        tpu.vector_store %arg13[%swap3A, %swap3A_133], %swap3A_136 {strides = array<i32>} : memref<64x128xf32, #tpu.memory_space<vmem>>, vector<1x16xf32>,
        %get3A_137 = arith.index_cast %scan3A_113 : i32 to index
        %get3A_138 = arith.constant 16 : index
        %get3A_139 = tpu.vector_load %arg10[%get3A_137, %get3A_138] {strides = array<i32>} : memref<64x128xf32, #tpu.memory_space<vmem>>, vector<1x16xf32>,
        %get3A_140 = vector.shape_cast %get3A_139 : vector<1x16xf32> to vector<16xf32>
        %get3A_141 = arith.index_cast %scan3A_113 : i32 to index
        %get3A_142 = arith.constant 80 : index
        %get3A_143 = tpu.vector_load %arg11[%get3A_141, %get3A_142] {strides = array<i32>} : memref<64x128xf32, #tpu.memory_space<vmem>>, vector<1x16xf32>,
        %get3A_144 = vector.shape_cast %get3A_143 : vector<1x16xf32> to vector<16xf32>
        %add3A_145 = arith.addf %get3A_140, %get3A_144 : vector<16xf32>
        %get3A_146 = arith.index_cast %scan3A_113 : i32 to index
        %get3A_147 = arith.constant 16 : index
        %get3A_148 = tpu.vector_load %arg12[%get3A_146, %get3A_147] {strides = array<i32>} : memref<64x64xf32, #tpu.memory_space<vmem>>, vector<1x16xf32>,
        %get3A_149 = vector.shape_cast %get3A_148 : vector<1x16xf32> to vector<16xf32>
        %add3A_150 = arith.addf %add3A_145, %get3A_149 : vector<16xf32>
        %gt3A_151 = arith.constant 0.000000e+00 : f32
        %gt3A_152 = vector.broadcast %gt3A_151 : f32 to vector<16xf32>
        %gt3A_153 = arith.cmpf ogt, %add3A_150, %gt3A_152 : vector<16xf32>
        %exp3A_154 = math.exp %add3A_150 : vector<16xf32>
        %sub3A_155 = arith.constant 1.000000e+00 : f32
        %sub3A_156 = vector.broadcast %sub3A_155 : f32 to vector<16xf32>
        %sub3A_157 = arith.subf %exp3A_154, %sub3A_156 : vector<16xf32>
        %select_n3A_158 = arith.select %gt3A_153, %add3A_150, %sub3A_157 : vector<16xi1>, vector<16xf32>
        %swap3A_159 = arith.index_cast %scan3A_113 : i32 to index
        %swap3A_160 = arith.constant 16 : index
        %swap3A_161 = tpu.vector_load %arg13[%swap3A_159, %swap3A_160] {strides = array<i32>} : memref<64x128xf32, #tpu.memory_space<vmem>>, vector<1x16xf32>,
        %swap3A_162 = vector.shape_cast %swap3A_161 : vector<1x16xf32> to vector<16xf32>
        %swap3A_163 = vector.shape_cast %select_n3A_158 : vector<16xf32> to vector<1x16xf32>
        tpu.vector_store %arg13[%swap3A_159, %swap3A_160], %swap3A_163 {strides = array<i32>} : memref<64x128xf32, #tpu.memory_space<vmem>>, vector<1x16xf32>,
        %get3A_164 = arith.index_cast %scan3A_113 : i32 to index
        %get3A_165 = arith.constant 32 : index
        %get3A_166 = tpu.vector_load %arg10[%get3A_164, %get3A_165] {strides = array<i32>} : memref<64x128xf32, #tpu.memory_space<vmem>>, vector<1x16xf32>,
        %get3A_167 = vector.shape_cast %get3A_166 : vector<1x16xf32> to vector<16xf32>
        %get3A_168 = arith.index_cast %scan3A_113 : i32 to index
        %get3A_169 = arith.constant 96 : index
        %get3A_170 = tpu.vector_load %arg11[%get3A_168, %get3A_169] {strides = array<i32>} : memref<64x128xf32, #tpu.memory_space<vmem>>, vector<1x16xf32>,
        %get3A_171 = vector.shape_cast %get3A_170 : vector<1x16xf32> to vector<16xf32>
        %add3A_172 = arith.addf %get3A_167, %get3A_171 : vector<16xf32>
        %get3A_173 = arith.index_cast %scan3A_113 : i32 to index
        %get3A_174 = arith.constant 32 : index
        %get3A_175 = tpu.vector_load %arg12[%get3A_173, %get3A_174] {strides = array<i32>} : memref<64x64xf32, #tpu.memory_space<vmem>>, vector<1x16xf32>,
        %get3A_176 = vector.shape_cast %get3A_175 : vector<1x16xf32> to vector<16xf32>
        %add3A_177 = arith.addf %add3A_172, %get3A_176 : vector<16xf32>
        %gt3A_178 = arith.constant 0.000000e+00 : f32
        %gt3A_179 = vector.broadcast %gt3A_178 : f32 to vector<16xf32>
        %gt3A_180 = arith.cmpf ogt, %add3A_177, %gt3A_179 : vector<16xf32>
        %exp3A_181 = math.exp %add3A_177 : vector<16xf32>
        %sub3A_182 = arith.constant 1.000000e+00 : f32
        %sub3A_183 = vector.broadcast %sub3A_182 : f32 to vector<16xf32>
        %sub3A_184 = arith.subf %exp3A_181, %sub3A_183 : vector<16xf32>
        %select_n3A_185 = arith.select %gt3A_180, %add3A_177, %sub3A_184 : vector<16xi1>, vector<16xf32>
        %swap3A_186 = arith.index_cast %scan3A_113 : i32 to index
        %swap3A_187 = arith.constant 32 : index
        %swap3A_188 = tpu.vector_load %arg13[%swap3A_186, %swap3A_187] {strides = array<i32>} : memref<64x128xf32, #tpu.memory_space<vmem>>, vector<1x16xf32>,
        %swap3A_189 = vector.shape_cast %swap3A_188 : vector<1x16xf32> to vector<16xf32>
        %swap3A_190 = vector.shape_cast %select_n3A_185 : vector<16xf32> to vector<1x16xf32>
        tpu.vector_store %arg13[%swap3A_186, %swap3A_187], %swap3A_190 {strides = array<i32>} : memref<64x128xf32, #tpu.memory_space<vmem>>, vector<1x16xf32>,
        %get3A_191 = arith.index_cast %scan3A_113 : i32 to index
        %get3A_192 = arith.constant 48 : index
        %get3A_193 = tpu.vector_load %arg10[%get3A_191, %get3A_192] {strides = array<i32>} : memref<64x128xf32, #tpu.memory_space<vmem>>, vector<1x16xf32>,
        %get3A_194 = vector.shape_cast %get3A_193 : vector<1x16xf32> to vector<16xf32>
        %get3A_195 = arith.index_cast %scan3A_113 : i32 to index
        %get3A_196 = arith.constant 112 : index
        %get3A_197 = tpu.vector_load %arg11[%get3A_195, %get3A_196] {strides = array<i32>} : memref<64x128xf32, #tpu.memory_space<vmem>>, vector<1x16xf32>,
        %get3A_198 = vector.shape_cast %get3A_197 : vector<1x16xf32> to vector<16xf32>
        %add3A_199 = arith.addf %get3A_194, %get3A_198 : vector<16xf32>
        %get3A_200 = arith.index_cast %scan3A_113 : i32 to index
        %get3A_201 = arith.constant 48 : index
        %get3A_202 = tpu.vector_load %arg12[%get3A_200, %get3A_201] {strides = array<i32>} : memref<64x64xf32, #tpu.memory_space<vmem>>, vector<1x16xf32>,
        %get3A_203 = vector.shape_cast %get3A_202 : vector<1x16xf32> to vector<16xf32>
        %add3A_204 = arith.addf %add3A_199, %get3A_203 : vector<16xf32>
        %gt3A_205 = arith.constant 0.000000e+00 : f32
        %gt3A_206 = vector.broadcast %gt3A_205 : f32 to vector<16xf32>
        %gt3A_207 = arith.cmpf ogt, %add3A_204, %gt3A_206 : vector<16xf32>
        %exp3A_208 = math.exp %add3A_204 : vector<16xf32>
        %sub3A_209 = arith.constant 1.000000e+00 : f32
        %sub3A_210 = vector.broadcast %sub3A_209 : f32 to vector<16xf32>
        %sub3A_211 = arith.subf %exp3A_208, %sub3A_210 : vector<16xf32>
        %select_n3A_212 = arith.select %gt3A_207, %add3A_204, %sub3A_211 : vector<16xi1>, vector<16xf32>
        %swap3A_213 = arith.index_cast %scan3A_113 : i32 to index
        %swap3A_214 = arith.constant 48 : index
        %swap3A_215 = tpu.vector_load %arg13[%swap3A_213, %swap3A_214] {strides = array<i32>} : memref<64x128xf32, #tpu.memory_space<vmem>>, vector<1x16xf32>,
        %swap3A_216 = vector.shape_cast %swap3A_215 : vector<1x16xf32> to vector<16xf32>
        %swap3A_217 = vector.shape_cast %select_n3A_212 : vector<16xf32> to vector<1x16xf32>
        tpu.vector_store %arg13[%swap3A_213, %swap3A_214], %swap3A_217 {strides = array<i32>} : memref<64x128xf32, #tpu.memory_space<vmem>>, vector<1x16xf32>,
        %scan3A_218 = arith.constant 0 : i32
        scf.yield %scan3A_218 : i32
      }
      %scan3A_111 = arith.constant 64 : i32
      "tpu.region"() ({
        %run_scoped3A = tpu.sem_alloc : memref<!tpu.dma_semaphore, #tpu.memory_space<semaphore_mem>>
        %dma_start3A_113 = arith.constant 0 : i32
        %dma_start3A_114 = arith.constant 0 : i32
        %dma_start3A_115 = tpu.memref_slice %arg7[%dma_start3A_113, %dma_start3A_114] : memref<10240x128xf32, #tpu.memory_space<vmem_shared>> -> memref<10240x128xf32, #tpu.memory_space<vmem_shared>>
        tpu.enqueue_indirect_dma source(%arg13 : memref<64x128xf32, #tpu.memory_space<vmem>>) target(%dma_start3A_115 : memref<10240x128xf32, #tpu.memory_space<vmem_shared>>) offsets(%arg9 : memref<64xi32, #tpu.memory_space<vmem>>) semaphore(%run_scoped3A : memref<!tpu.dma_semaphore, #tpu.memory_space<semaphore_mem>>) {add = true}
        %dma_wait3A_116 = arith.constant 0 : i32
        %dma_wait3A_117 = arith.constant 0 : i32
        %dma_wait3A_118 = tpu.memref_slice %arg7[%dma_wait3A_116, %dma_wait3A_117] : memref<10240x128xf32, #tpu.memory_space<vmem_shared>> -> memref<10240x128xf32, #tpu.memory_space<vmem_shared>>
        tpu.wait_indirect_dma semaphore(%run_scoped3A : memref<!tpu.dma_semaphore, #tpu.memory_space<semaphore_mem>>) src(%arg13 : memref<64x128xf32, #tpu.memory_space<vmem>>) dst(%dma_wait3A_118 : memref<10240x128xf32, #tpu.memory_space<vmem_shared>>)
        tpu.yield
      }) : () -> ()
      %while3A_112 = arith.constant 0 : i32
      scf.yield %while3A_112 : i32
    }
    %barrier3A_75 = arith.constant 0 : index
    tpu.barrier barrier_id(%barrier3A_75)
    %mul3A_76 = arith.constant 640 : i32
    %mul3A_77 = arith.muli %arg1, %mul3A_76 : i32
    %mul3A_78 = arith.constant 640 : i32
    %mul3A_79 = arith.muli %arg1, %mul3A_78 : i32
    "tpu.region"() ({
      %run_scoped3A = tpu.sem_alloc : memref<!tpu.dma_semaphore, #tpu.memory_space<semaphore_mem>>
      %dma_start3A = arith.constant 0 : i32
      %dma_start3A_80 = tpu.memref_slice %arg6[%arg0, %mul3A_79, %dma_start3A] : memref<2x10240x128xf32, #tpu.memory_space<hbm>> -> memref<1x640x128xf32, #tpu.memory_space<hbm>>
      %dma_start3A_81 = tpu.memref_squeeze %dma_start3A_80 : memref<1x640x128xf32, #tpu.memory_space<hbm>> -> memref<640x128xf32, #tpu.memory_space<hbm>>
      %dma_start3A_82 = arith.constant 0 : i32
      %dma_start3A_83 = tpu.memref_slice %arg7[%mul3A_77, %dma_start3A_82] : memref<10240x128xf32, #tpu.memory_space<vmem_shared>> -> memref<640x128xf32, #tpu.memory_space<vmem_shared>>
      tpu.enqueue_dma source(%dma_start3A_83 : memref<640x128xf32, #tpu.memory_space<vmem_shared>>) target(%dma_start3A_81 : memref<640x128xf32, #tpu.memory_space<hbm>>) target_semaphore(%run_scoped3A : memref<!tpu.dma_semaphore, #tpu.memory_space<semaphore_mem>>)
      %dma_wait3A = arith.constant 0 : i32
      %dma_wait3A_84 = tpu.memref_slice %arg6[%arg0, %mul3A_79, %dma_wait3A] : memref<2x10240x128xf32, #tpu.memory_space<hbm>> -> memref<1x640x128xf32, #tpu.memory_space<hbm>>
      %dma_wait3A_85 = tpu.memref_squeeze %dma_wait3A_84 : memref<1x640x128xf32, #tpu.memory_space<hbm>> -> memref<640x128xf32, #tpu.memory_space<hbm>>
      %dma_wait3A_86 = arith.constant 0 : i32
      %dma_wait3A_87 = tpu.memref_slice %arg7[%mul3A_77, %dma_wait3A_86] : memref<10240x128xf32, #tpu.memory_space<vmem_shared>> -> memref<640x128xf32, #tpu.memory_space<vmem_shared>>
      tpu.wait_dma2 semaphore(%run_scoped3A : memref<!tpu.dma_semaphore, #tpu.memory_space<semaphore_mem>>) src(%dma_wait3A_87 : memref<640x128xf32, #tpu.memory_space<vmem_shared>>) dst(%dma_wait3A_85 : memref<640x128xf32, #tpu.memory_space<hbm>>)
      tpu.yield
    }) : () -> ()
    return
  }
}

module attributes {stable_mosaic.version = 14 : i64} {
  func.func @_node_proj_body(%arg0: memref<10000x128xf32, #tpu.memory_space<vmem>>, %arg1: memref<128x128xf32, #tpu.memory_space<vmem>>, %arg2: memref<10000x128xf32, #tpu.memory_space<vmem>>) attributes {dimension_semantics = [], scalar_prefetch = 0 : i64, scratch_operands = 0 : i64, tpu.core_type = #tpu.core_type<tc>} {
    %get3A = arith.constant 0 : index
    %get3A_0 = arith.constant 0 : index
    %get3A_1 = vector.load %arg0[%get3A, %get3A_0] : memref<10000x128xf32, #tpu.memory_space<vmem>>, vector<10000x128xf32>
    %get3A_2 = arith.constant 0 : index
    %get3A_3 = arith.constant 0 : index
    %get3A_4 = vector.load %arg1[%get3A_2, %get3A_3] : memref<128x128xf32, #tpu.memory_space<vmem>>, vector<128x128xf32>
    %dot_general3A = arith.constant dense<0.000000e+00> : vector<10000x128xf32>
    %dot_general3A_5 = tpu.matmul %get3A_1, %get3A_4, %dot_general3A {dimension_numbers = #tpu.dot_dimension_numbers<[1], [0], [0], [1], [0, 0, 1, 1], [], []>, precision = #tpu.contract_precision<fp32>, transpose_lhs_hint = false} : vector<10000x128xf32>, vector<128x128xf32>, vector<10000x128xf32> -> vector<10000x128xf32>
    %swap3A = arith.constant 0 : index
    %swap3A_6 = arith.constant 0 : index
    %swap3A_7 = vector.load %arg2[%swap3A, %swap3A_6] : memref<10000x128xf32, #tpu.memory_space<vmem>>, vector<10000x128xf32>
    tpu.vector_store %arg2[%swap3A, %swap3A_6], %dot_general3A_5 {strides = array<i32>} : memref<10000x128xf32, #tpu.memory_space<vmem>>, vector<10000x128xf32>,
    return
  }
}

module attributes {stable_mosaic.version = 14 : i64} {
  func.func @_edge_proj_body(%arg0: i32, %arg1: memref<4000x4xf32, #tpu.memory_space<vmem>>, %arg2: memref<4x64xf32, #tpu.memory_space<vmem>>, %arg3: memref<1x64xf32, #tpu.memory_space<vmem>>, %arg4: memref<4000x64xf32, #tpu.memory_space<vmem>>) attributes {dimension_semantics = [#tpu.dimension_semantics<arbitrary>], iteration_bounds = array<i64: 80>, scalar_prefetch = 0 : i64, scratch_operands = 0 : i64, tpu.core_type = #tpu.core_type<tc>, window_params = [{transform_indices = @transform_0, window_bounds = array<i64: 4000, 4>}, {pipeline_mode = #tpu.pipeline_mode<synchronous>, transform_indices = @transform_1, window_bounds = array<i64: 4, 64>}, {pipeline_mode = #tpu.pipeline_mode<synchronous>, transform_indices = @transform_2, window_bounds = array<i64: 1, 64>}, {transform_indices = @transform_3, window_bounds = array<i64: 4000, 64>}]} {
    %get3A = arith.constant 0 : index
    %get3A_0 = arith.constant 0 : index
    %get3A_1 = vector.load %arg1[%get3A, %get3A_0] : memref<4000x4xf32, #tpu.memory_space<vmem>>, vector<4000x4xf32>
    %get3A_2 = arith.constant 0 : index
    %get3A_3 = arith.constant 0 : index
    %get3A_4 = vector.load %arg2[%get3A_2, %get3A_3] : memref<4x64xf32, #tpu.memory_space<vmem>>, vector<4x64xf32>
    %dot_general3A = arith.constant dense<0.000000e+00> : vector<4000x64xf32>
    %dot_general3A_5 = tpu.matmul %get3A_1, %get3A_4, %dot_general3A {dimension_numbers = #tpu.dot_dimension_numbers<[1], [0], [0], [1], [0, 0, 1, 1], [], []>, precision = #tpu.contract_precision<fp32>, transpose_lhs_hint = false} : vector<4000x4xf32>, vector<4x64xf32>, vector<4000x64xf32> -> vector<4000x64xf32>
    %get3A_6 = arith.constant 0 : index
    %get3A_7 = arith.constant 0 : index
    %get3A_8 = vector.load %arg3[%get3A_6, %get3A_7] : memref<1x64xf32, #tpu.memory_space<vmem>>, vector<1x64xf32>
    %add3A = vector.broadcast %get3A_8 : vector<1x64xf32> to vector<4000x64xf32>
    %add3A_9 = arith.addf %dot_general3A_5, %add3A : vector<4000x64xf32>
    %swap3A = arith.constant 0 : index
    %swap3A_10 = arith.constant 0 : index
    %swap3A_11 = vector.load %arg4[%swap3A, %swap3A_10] : memref<4000x64xf32, #tpu.memory_space<vmem>>, vector<4000x64xf32>
    tpu.vector_store %arg4[%swap3A, %swap3A_10], %add3A_9 {strides = array<i32>} : memref<4000x64xf32, #tpu.memory_space<vmem>>, vector<4000x64xf32>,
    return
  }
  func.func @transform_0(%arg0: i32) -> (i32, i32) {
    %c0_i32 = arith.constant 0 : i32
    %c0_i32_0 = arith.constant 0 : i32
    return %arg0, %c0_i32 : i32, i32
  }
  func.func @transform_1(%arg0: i32) -> (i32, i32) {
    %c0_i32 = arith.constant 0 : i32
    %c0_i32_0 = arith.constant 0 : i32
    %c0_i32_1 = arith.constant 0 : i32
    return %c0_i32, %c0_i32_0 : i32, i32
  }
  func.func @transform_2(%arg0: i32) -> (i32, i32) {
    %c0_i32 = arith.constant 0 : i32
    %c0_i32_0 = arith.constant 0 : i32
    %c0_i32_1 = arith.constant 0 : i32
    return %c0_i32, %c0_i32_0 : i32, i32
  }
  func.func @transform_3(%arg0: i32) -> (i32, i32) {
    %c0_i32 = arith.constant 0 : i32
    %c0_i32_0 = arith.constant 0 : i32
    return %arg0, %c0_i32 : i32, i32
  }
}

module attributes {stable_mosaic.version = 14 : i64} {
  func.func @_post_body(%arg0: i32, %arg1: memref<1000x128xf32, #tpu.memory_space<vmem>>, %arg2: memref<1000x128xf32, #tpu.memory_space<vmem>>, %arg3: memref<1000x128xf32, #tpu.memory_space<vmem>>, %arg4: memref<64x64xf32, #tpu.memory_space<vmem>>, %arg5: memref<128x64xf32, #tpu.memory_space<vmem>>, %arg6: memref<64x64xf32, #tpu.memory_space<vmem>>, %arg7: memref<1x64xf32, #tpu.memory_space<vmem>>, %arg8: memref<1x64xf32, #tpu.memory_space<vmem>>, %arg9: memref<64x128xf32, #tpu.memory_space<vmem>>, %arg10: memref<1x128xf32, #tpu.memory_space<vmem>>, %arg11: memref<1000x128xf32, #tpu.memory_space<vmem>>) attributes {dimension_semantics = [#tpu.dimension_semantics<arbitrary>], iteration_bounds = array<i64: 10>, scalar_prefetch = 0 : i64, scratch_operands = 0 : i64, tpu.core_type = #tpu.core_type<tc>, window_params = [{transform_indices = @transform_0, window_bounds = array<i64: 1000, 128>}, {transform_indices = @transform_1, window_bounds = array<i64: 1000, 128>}, {transform_indices = @transform_2, window_bounds = array<i64: 1000, 128>}, {pipeline_mode = #tpu.pipeline_mode<synchronous>, transform_indices = @transform_3, window_bounds = array<i64: 64, 64>}, {pipeline_mode = #tpu.pipeline_mode<synchronous>, transform_indices = @transform_4, window_bounds = array<i64: 128, 64>}, {pipeline_mode = #tpu.pipeline_mode<synchronous>, transform_indices = @transform_5, window_bounds = array<i64: 64, 64>}, {pipeline_mode = #tpu.pipeline_mode<synchronous>, transform_indices = @transform_6, window_bounds = array<i64: 1, 64>}, {pipeline_mode = #tpu.pipeline_mode<synchronous>, transform_indices = @transform_7, window_bounds = array<i64: 1, 64>}, {pipeline_mode = #tpu.pipeline_mode<synchronous>, transform_indices = @transform_8, window_bounds = array<i64: 64, 128>}, {pipeline_mode = #tpu.pipeline_mode<synchronous>, transform_indices = @transform_9, window_bounds = array<i64: 1, 128>}, {transform_indices = @transform_10, window_bounds = array<i64: 1000, 128>}]} {
    %get3A = arith.constant 0 : index
    %get3A_0 = arith.constant 0 : index
    %get3A_1 = vector.load %arg2[%get3A, %get3A_0] : memref<1000x128xf32, #tpu.memory_space<vmem>>, vector<1000x128xf32>
    %get3A_2 = arith.constant 0 : index
    %get3A_3 = arith.constant 0 : index
    %get3A_4 = vector.load %arg3[%get3A_2, %get3A_3] : memref<1000x128xf32, #tpu.memory_space<vmem>>, vector<1000x128xf32>
    %slice3A = vector.extract_strided_slice %get3A_1 {offsets = [0, 0], sizes = [1000, 64], strides = [1, 1]} : vector<1000x128xf32> to vector<1000x64xf32>
    %slice3A_5 = vector.extract_strided_slice %get3A_4 {offsets = [0, 0], sizes = [1000, 64], strides = [1, 1]} : vector<1000x128xf32> to vector<1000x64xf32>
    %add3A = arith.addf %slice3A, %slice3A_5 : vector<1000x64xf32>
    %slice3A_6 = vector.extract_strided_slice %get3A_1 {offsets = [0, 64], sizes = [1000, 1], strides = [1, 1]} : vector<1000x128xf32> to vector<1000x1xf32>
    %slice3A_7 = vector.extract_strided_slice %get3A_4 {offsets = [0, 64], sizes = [1000, 1], strides = [1, 1]} : vector<1000x128xf32> to vector<1000x1xf32>
    %add3A_8 = arith.addf %slice3A_6, %slice3A_7 : vector<1000x1xf32>
    %get3A_9 = arith.constant 0 : index
    %get3A_10 = arith.constant 0 : index
    %get3A_11 = vector.load %arg4[%get3A_9, %get3A_10] : memref<64x64xf32, #tpu.memory_space<vmem>>, vector<64x64xf32>
    %get3A_12 = arith.constant 0 : index
    %get3A_13 = arith.constant 0 : index
    %get3A_14 = vector.load %arg6[%get3A_12, %get3A_13] : memref<64x64xf32, #tpu.memory_space<vmem>>, vector<64x64xf32>
    %dot_general3A = arith.constant dense<0.000000e+00> : vector<64x64xf32>
    %dot_general3A_15 = tpu.matmul %get3A_11, %get3A_14, %dot_general3A {dimension_numbers = #tpu.dot_dimension_numbers<[1], [0], [0], [1], [0, 0, 1, 1], [], []>, precision = #tpu.contract_precision<fp32>, transpose_lhs_hint = false} : vector<64x64xf32>, vector<64x64xf32>, vector<64x64xf32> -> vector<64x64xf32>
    %get3A_16 = arith.constant 0 : index
    %get3A_17 = arith.constant 0 : index
    %get3A_18 = vector.load %arg7[%get3A_16, %get3A_17] : memref<1x64xf32, #tpu.memory_space<vmem>>, vector<1x64xf32>
    %get3A_19 = arith.constant 0 : index
    %get3A_20 = arith.constant 0 : index
    %get3A_21 = vector.load %arg6[%get3A_19, %get3A_20] : memref<64x64xf32, #tpu.memory_space<vmem>>, vector<64x64xf32>
    %dot_general3A_22 = arith.constant dense<0.000000e+00> : vector<1x64xf32>
    %dot_general3A_23 = tpu.matmul %get3A_18, %get3A_21, %dot_general3A_22 {dimension_numbers = #tpu.dot_dimension_numbers<[1], [0], [0], [1], [0, 0, 1, 1], [], []>, precision = #tpu.contract_precision<fp32>, transpose_lhs_hint = false} : vector<1x64xf32>, vector<64x64xf32>, vector<1x64xf32> -> vector<1x64xf32>
    %get3A_24 = arith.constant 0 : index
    %get3A_25 = arith.constant 0 : index
    %get3A_26 = vector.load %arg1[%get3A_24, %get3A_25] : memref<1000x128xf32, #tpu.memory_space<vmem>>, vector<1000x128xf32>
    %get3A_27 = arith.constant 0 : index
    %get3A_28 = arith.constant 0 : index
    %get3A_29 = vector.load %arg5[%get3A_27, %get3A_28] : memref<128x64xf32, #tpu.memory_space<vmem>>, vector<128x64xf32>
    %dot_general3A_30 = arith.constant dense<0.000000e+00> : vector<1000x64xf32>
    %dot_general3A_31 = tpu.matmul %get3A_26, %get3A_29, %dot_general3A_30 {dimension_numbers = #tpu.dot_dimension_numbers<[1], [0], [0], [1], [0, 0, 1, 1], [], []>, precision = #tpu.contract_precision<fp32>, transpose_lhs_hint = false} : vector<1000x128xf32>, vector<128x64xf32>, vector<1000x64xf32> -> vector<1000x64xf32>
    %dot_general3A_32 = arith.constant dense<0.000000e+00> : vector<1000x64xf32>
    %dot_general3A_33 = tpu.matmul %add3A, %dot_general3A_15, %dot_general3A_32 {dimension_numbers = #tpu.dot_dimension_numbers<[1], [0], [0], [1], [0, 0, 1, 1], [], []>, precision = #tpu.contract_precision<fp32>, transpose_lhs_hint = false} : vector<1000x64xf32>, vector<64x64xf32>, vector<1000x64xf32> -> vector<1000x64xf32>
    %add3A_34 = arith.addf %dot_general3A_31, %dot_general3A_33 : vector<1000x64xf32>
    %mul3A = vector.broadcast %add3A_8 : vector<1000x1xf32> to vector<1000x64xf32>
    %mul3A_35 = vector.broadcast %dot_general3A_23 : vector<1x64xf32> to vector<1000x64xf32>
    %mul3A_36 = arith.mulf %mul3A, %mul3A_35 : vector<1000x64xf32>
    %add3A_37 = arith.addf %add3A_34, %mul3A_36 : vector<1000x64xf32>
    %get3A_38 = arith.constant 0 : index
    %get3A_39 = arith.constant 0 : index
    %get3A_40 = vector.load %arg8[%get3A_38, %get3A_39] : memref<1x64xf32, #tpu.memory_space<vmem>>, vector<1x64xf32>
    %add3A_41 = vector.broadcast %get3A_40 : vector<1x64xf32> to vector<1000x64xf32>
    %add3A_42 = arith.addf %add3A_37, %add3A_41 : vector<1000x64xf32>
    %gt3A = arith.constant 0.000000e+00 : f32
    %gt3A_43 = vector.broadcast %gt3A : f32 to vector<1000x64xf32>
    %gt3A_44 = arith.cmpf ogt, %add3A_42, %gt3A_43 : vector<1000x64xf32>
    %exp3A = math.exp %add3A_42 : vector<1000x64xf32>
    %sub3A = arith.constant 1.000000e+00 : f32
    %sub3A_45 = vector.broadcast %sub3A : f32 to vector<1000x64xf32>
    %sub3A_46 = arith.subf %exp3A, %sub3A_45 : vector<1000x64xf32>
    %select_n3A = arith.select %gt3A_44, %add3A_42, %sub3A_46 : vector<1000x64xi1>, vector<1000x64xf32>
    %get3A_47 = arith.constant 0 : index
    %get3A_48 = arith.constant 0 : index
    %get3A_49 = vector.load %arg9[%get3A_47, %get3A_48] : memref<64x128xf32, #tpu.memory_space<vmem>>, vector<64x128xf32>
    %dot_general3A_50 = arith.constant dense<0.000000e+00> : vector<1000x128xf32>
    %dot_general3A_51 = tpu.matmul %select_n3A, %get3A_49, %dot_general3A_50 {dimension_numbers = #tpu.dot_dimension_numbers<[1], [0], [0], [1], [0, 0, 1, 1], [], []>, precision = #tpu.contract_precision<fp32>, transpose_lhs_hint = false} : vector<1000x64xf32>, vector<64x128xf32>, vector<1000x128xf32> -> vector<1000x128xf32>
    %get3A_52 = arith.constant 0 : index
    %get3A_53 = arith.constant 0 : index
    %get3A_54 = vector.load %arg10[%get3A_52, %get3A_53] : memref<1x128xf32, #tpu.memory_space<vmem>>, vector<1x128xf32>
    %add3A_55 = vector.broadcast %get3A_54 : vector<1x128xf32> to vector<1000x128xf32>
    %add3A_56 = arith.addf %dot_general3A_51, %add3A_55 : vector<1000x128xf32>
    %swap3A = arith.constant 0 : index
    %swap3A_57 = arith.constant 0 : index
    %swap3A_58 = vector.load %arg11[%swap3A, %swap3A_57] : memref<1000x128xf32, #tpu.memory_space<vmem>>, vector<1000x128xf32>
    tpu.vector_store %arg11[%swap3A, %swap3A_57], %add3A_56 {strides = array<i32>} : memref<1000x128xf32, #tpu.memory_space<vmem>>, vector<1000x128xf32>,
    return
  }
  func.func @transform_0(%arg0: i32) -> (i32, i32) {
    %c0_i32 = arith.constant 0 : i32
    %c0_i32_0 = arith.constant 0 : i32
    return %arg0, %c0_i32 : i32, i32
  }
  func.func @transform_1(%arg0: i32) -> (i32, i32) {
    %c0_i32 = arith.constant 0 : i32
    %c0_i32_0 = arith.constant 0 : i32
    return %arg0, %c0_i32 : i32, i32
  }
  func.func @transform_2(%arg0: i32) -> (i32, i32) {
    %c0_i32 = arith.constant 0 : i32
    %c0_i32_0 = arith.constant 0 : i32
    return %arg0, %c0_i32 : i32, i32
  }
  func.func @transform_3(%arg0: i32) -> (i32, i32) {
    %c0_i32 = arith.constant 0 : i32
    %c0_i32_0 = arith.constant 0 : i32
    %c0_i32_1 = arith.constant 0 : i32
    return %c0_i32, %c0_i32_0 : i32, i32
  }
  func.func @transform_4(%arg0: i32) -> (i32, i32) {
    %c0_i32 = arith.constant 0 : i32
    %c0_i32_0 = arith.constant 0 : i32
    %c0_i32_1 = arith.constant 0 : i32
    return %c0_i32, %c0_i32_0 : i32, i32
  }
  func.func @transform_5(%arg0: i32) -> (i32, i32) {
    %c0_i32 = arith.constant 0 : i32
    %c0_i32_0 = arith.constant 0 : i32
    %c0_i32_1 = arith.constant 0 : i32
    return %c0_i32, %c0_i32_0 : i32, i32
  }
  func.func @transform_6(%arg0: i32) -> (i32, i32) {
    %c0_i32 = arith.constant 0 : i32
    %c0_i32_0 = arith.constant 0 : i32
    %c0_i32_1 = arith.constant 0 : i32
    return %c0_i32, %c0_i32_0 : i32, i32
  }
  func.func @transform_7(%arg0: i32) -> (i32, i32) {
    %c0_i32 = arith.constant 0 : i32
    %c0_i32_0 = arith.constant 0 : i32
    %c0_i32_1 = arith.constant 0 : i32
    return %c0_i32, %c0_i32_0 : i32, i32
  }
  func.func @transform_8(%arg0: i32) -> (i32, i32) {
    %c0_i32 = arith.constant 0 : i32
    %c0_i32_0 = arith.constant 0 : i32
    %c0_i32_1 = arith.constant 0 : i32
    return %c0_i32, %c0_i32_0 : i32, i32
  }
  func.func @transform_9(%arg0: i32) -> (i32, i32) {
    %c0_i32 = arith.constant 0 : i32
    %c0_i32_0 = arith.constant 0 : i32
    %c0_i32_1 = arith.constant 0 : i32
    return %c0_i32, %c0_i32_0 : i32, i32
  }
  func.func @transform_10(%arg0: i32) -> (i32, i32) {
    %c0_i32 = arith.constant 0 : i32
    %c0_i32_0 = arith.constant 0 : i32
    return %arg0, %c0_i32 : i32, i32
  }
}

</mosaic_0001>

<sc_bundles>
// kernel: kernel.6.cloned.1.call-start
scs
__scs_entry_jumppad:
0x0: {  	(pc) =	sbr.rel $0x88, $3  }
0x1: {  	(tag) =	ssettag $0x0;
	lr =	simm.s32 $0x1  }
0x2: {  	[smem:$0x3F96] =	sst lr;
	_ =	strace $0xD0000000  }
0x3: {  	_ = 	snop  }
0x4: {  	_ = 	snop  }
0x5: {  	_ = 	snop  }
0x6: {  	_ = 	snop  }
0x7: {  	_ = 	snop  }
__scs_overlays_trampoline_lowered:
0x8: {  	[smem:$0x3FA5] =	sst s0  }
0x9: {  	[smem:$0x3FA6] =	sst s1  }
0xa: {  	[smem:$0x3FA7] =	sst s2  }
0xb: {  	[smem:$0x3FA8] =	sst s3  }
0xc: {  	[smem:$0x3FA9] =	sst s4  }
0xd: {  	[smem:$0x3FAA] =	sst s5  }
0xe: {  	[smem:$0x3FAB] =	sst s6  }
0xf: {  	[smem:$0x3FAC] =	sst s7  }
0x10: {  	[smem:$0x3FAD] =	sst s8  }
0x11: {  	[smem:$0x3FAE] =	sst s9;
	s0 =	simm.s32 @!p0 $0x0  }
0x12: {  	s1 =	sld [smem:$0x3F94];
	s0 =	simm.s32 @p0 $0x1  }
0x13: {  	[smem:$0x3FAF] =	sst s0;
	s0 =	simm.s32 @!p1 $0x0  }
0x14: {  	s2 =	sld [smem:$0x3F93];
	s0 =	simm.s32 @p1 $0x1  }
0x15: {  	[smem:$0x3FB0] =	sst s0;
	s0 =	simm.s32 @!p2 $0x0  }
0x16: {  	s3 =	sld [smem:$0x3FDB];
	s0 =	simm.s32 @p2 $0x1  }
0x17: {  	s4 =	simm.s32 $0x1BF5;
	[smem:$0x3FB2] =	sst s0  }
0x18: {  	s0 =	sld [smem:$0x3F95];
	_ =	swait.ge [sflag:s4], $0x0  }
0x19: {  	s7 =	sld [smem:$0x3F96]  }
0x1a: {  	s8 =	sadd.s32 $0xFFFFE003, lr  }
0x1b: {  	s9 =	sadd.s32 $0xFFFFFEF7, lr;
	s5 =	simm.s32 $0xFFFFFFFF;
	p2 =	slt.u32 s8, $0xFFFFF086  }
0x1c: {  	p1 =	slt.u32 s9, $0xF7A;
	s5 =	simm.s32 @!p2 $0x0  }
0x1d: {  	s5 =	simm.s32 @p1 $0x1;
	p0 =	seq.s32 s7, s2  }
0x1e: {  	s7 =	smul.u32 @!p0 $0xF7A, s2;
	p2 =	seq.s32 @!p0 s5, $0x0  }
0x1f: {  	s9 =	smul.u32 $0xF7A, s1;
	s8 =	simm.s32 @!p0 $0x1BF5;
	p2 =	por !p2, p0  }
0x20: {  	[sflag:s8] =	ssyncset.s32 @!p0 $0xFFFFF086;
	s6 =	sadd.s32 @!p0 s3, s7;
	s7 =	simm.s32 @!p0 $0x108  }
0x21: {  	s3 =	sadd.s32 s3, s9;
	s6 =	sadd.s32 @!p0 $0x88, s6;
	s7 =	simm.s32 @p2 $0x1082  }
0x22: {  	[simem:s7], [sflag:s8] =	dma.local @!p0 [hbm:s6], $0xF7A  }
0x23: {  	s9 =	sor.u32 $0xD0000000, s2;
	s6 =	simm.s32 $0x108;
	_ =	swait.ge @!p0 [sflag:s8], $0x0  }
0x24: {  	s3 =	sadd.s32 $0x88, s3;
	s6 =	simm.s32 @!p1 $0x1082;
	[sflag:s4] =	ssyncset.s32 $0xFFFFF086  }
0x25: {  	[simem:s6], [sflag:s4] =	dma.local [hbm:s3], $0xF7A  }
0x26: {  	[smem:$0x3F96] =	sst s1;
	(tag) =	ssettag s2;
	_ =	strace s9  }
0x27: {  	s1 =	sld [smem:$0x3FA6]  }
0x28: {  	s2 =	sld [smem:$0x3FA7]  }
0x29: {  	s4 =	sld [smem:$0x3FA9]  }
0x2a: {  	p0 =	seq.s32 s5, $0x0;
	s5 =	sld [smem:$0x3FAA]  }
0x2b: {  	s6 =	sld [smem:$0x3FAB]  }
0x2c: {  	s7 =	sld [smem:$0x3FAC]  }
0x2d: {  	s3 =	simm.s32 $0x108;
	s8 =	sld [smem:$0x3FAD]  }
0x2e: {  	s3 =	simm.s32 @!p0 $0x1082;
	s9 =	sld [smem:$0x3FAE]  }
0x2f: {  	lr =	sadd.s32 s0, s3;
	s0 =	sld [smem:$0x3FA5]  }
0x30: {  	s3 =	sld [smem:$0x3FA8]  }
0x31: {  	[smem:$0x3FB1] =	sst s10  }
0x32: {  	s10 =	sld [smem:$0x3FAF];
	_ =	sdelay $0x3  }
0x33: {  	p0 =	seq.s32 s10, $0x1;
	s10 =	sld [smem:$0x3FB1];
	_ =	sdelay $0x3  }
0x34: {  	[smem:$0x3FB1] =	sst s10  }
0x35: {  	s10 =	sld [smem:$0x3FB0];
	_ =	sdelay $0x3  }
0x36: {  	p1 =	seq.s32 s10, $0x1;
	s10 =	sld [smem:$0x3FB1];
	_ =	sdelay $0x3  }
0x37: {  	[smem:$0x3FB1] =	sst s10  }
0x38: {  	s10 =	sld [smem:$0x3FB2]  }
0x39: {  	_ = 	snop;
	(pc) =	sbr.ind lr, $3  }
0x3a: {  	_ = 	snop  }
0x3b: {  	_ = 	snop  }
0x3c: {  	p2 =	seq.s32 s10, $0x1;
	s10 =	sld [smem:$0x3FB1]  }
0x3d: {  	_ =	shalt  }
0x3e: {  	_ =	shalt  }
0x3f: {  	_ =	shalt  }
0x40: {  	_ =	shalt  }
0x41: {  	_ =	shalt  }
0x42: {  	_ =	shalt  }
0x43: {  	_ =	shalt  }
0x44: {  	_ =	shalt  }
0x45: {  	_ =	shalt  }
0x46: {  	_ =	shalt  }
0x47: {  	_ =	shalt  }
0x48: {  	_ =	shalt  }
0x49: {  	_ =	shalt  }
0x4a: {  	_ =	shalt  }
0x4b: {  	_ =	shalt  }
0x4c: {  	_ =	shalt  }
0x4d: {  	_ =	shalt  }
0x4e: {  	_ =	shalt  }
0x4f: {  	_ =	shalt  }
0x50: {  	_ =	shalt  }
0x51: {  	_ =	shalt  }
0x52: {  	_ =	shalt  }
0x53: {  	_ =	shalt  }
0x54: {  	_ =	shalt  }
0x55: {  	_ =	shalt  }
0x56: {  	_ =	shalt  }
0x57: {  	_ =	shalt  }
0x58: {  	_ =	shalt  }
0x59: {  	_ =	shalt  }
0x5a: {  	_ =	shalt  }
0x5b: {  	_ =	shalt  }
0x5c: {  	_ =	shalt  }
0x5d: {  	_ =	shalt  }
0x5e: {  	_ =	shalt  }
0x5f: {  	_ =	shalt  }
0x60: {  	_ =	shalt  }
0x61: {  	_ =	shalt  }
0x62: {  	_ =	shalt  }
0x63: {  	_ =	shalt  }
0x64: {  	_ =	shalt  }
0x65: {  	_ =	shalt  }
0x66: {  	_ =	shalt  }
0x67: {  	_ =	shalt  }
0x68: {  	_ =	shalt  }
0x69: {  	_ =	shalt  }
0x6a: {  	_ =	shalt  }
0x6b: {  	_ =	shalt  }
0x6c: {  	_ =	shalt  }
0x6d: {  	_ =	shalt  }
0x6e: {  	_ =	shalt  }
0x6f: {  	_ =	shalt  }
0x70: {  	_ =	shalt  }
0x71: {  	_ =	shalt  }
0x72: {  	_ =	shalt  }
0x73: {  	_ =	shalt  }
0x74: {  	_ =	shalt  }
0x75: {  	_ =	shalt  }
0x76: {  	_ =	shalt  }
0x77: {  	_ =	shalt  }
0x78: {  	_ =	shalt  }
0x79: {  	_ =	shalt  }
0x7a: {  	_ =	shalt  }
0x7b: {  	_ =	shalt  }
0x7c: {  	_ =	shalt  }
0x7d: {  	_ =	shalt  }
0x7e: {  	_ =	shalt  }
0x7f: {  	_ =	shalt  }
0x80: {  	_ =	shalt  }
0x81: {  	_ =	shalt  }
0x82: {  	_ =	shalt  }
0x83: {  	_ =	shalt  }
0x84: {  	_ =	shalt  }
0x85: {  	_ =	shalt  }
0x86: {  	_ =	shalt  }
0x87: {  	_ =	shalt  }
.Lfunc_end0:
.L_simem_size_0:
called_computation_lowered:
.L_overlay_start_0:
0x88: {  	s2 =	sld [smem:$0x3FD9]  }
0x89: {  	s3 =	sld [smem:$0x3FFE];
	_ =	sdelay $0x1  }
0x8a: {  	s1 =	srdreg.scid  }
0x8b: {  	s0 =	sand.u32 $0x1, s1  }
0x8c: {  	s17 =	sshll.u32 s0, $0xA;
	s2 =	sadd.s32 s3, s2  }
0x8d: {  	s2 =	sadd.s32 s2, s17  }
0x8e: {  	[smem:$0x3FBD] =	sst s2  }
0x8f: {  	_ = 	snop  }
0x90: {  	s2 =	sld [smem:$0x3FD0];
	(tm) =	ssettm $0x1  }
0x91: {  	s18 =	sld [smem:$0x3FFB];
	_ =	sdelay $0x3  }
0x92: {  	_ =	strace s18  }
0x93: {  	s3 =	sld [smem:$0x3FFC];
	_ =	sdelay $0x3  }
0x94: {  	_ =	strace s3  }
0x95: {  	s3 =	sld [smem:$0x3FFD];
	_ =	sdelay $0x3  }
0x96: {  	_ =	strace s3  }
0x97: {  	_ =	strace $0x8FFFFFFF  }
0x98: {  	s19 =	sld [smem:$0x3FDB];
	_ =	sdelay $0x1  }
0x99: {  	s4 =	simm.s32 $_scs_section_size  }
0x9a: {  	s5 =	simm.s32 $_size__tile_overlayer_lowered;
	s6 =	simm.s32 $_tile_overlayer_lowered  }
0x9b: {  	s22 =	simm.s32 $0x1BFF;
	s21 =	sshll.u32 s6, $0x1;
	s3 =	sadd.s32 s4, s19  }
0x9c: {  	s7 =	simm.s32 $0x0;
	s20 =	sshll.u32 s5, $0x1;
	s5 =	sadd.s32 s21, s3  }
0x9d: {  	[timem:s7], [sflag:s22] =	dma.local [hbm:s5], s20  }
0x9e: {  	_ =	swait.ge [sflag:s22], s20  }
0x9f: {  	s4 =	ssub.s32 $0x0, s20;
	[sflag:s22] =	ssyncset.done $0x0  }
0xa0: {  	[sflag:s22] =	ssyncadd.s32 s4;
	_ =	sdelay $0x1  }
0xa1: {  	s23 =	simm.s32 $0x1B8B  }
0xa2: {  	_ =	swait.ge [sflag:s23], $0x1  }
0xa3: {  	[sflag:s23] =	ssyncset.done $0x0  }
0xa4: {  	s25 =	simm.s32 $0x1B8E;
	s24 =	sld [smem:$0x3FFE];
	[sflag:s23] =	ssyncadd.s32 $0xFFFFFFFF  }
0xa5: {  	s26 =	simm.s32 $execute0_lowered;
	[smem:$0x3FD2] =	sst s25  }
0xa6: {  	s5 =	sshll.u32 s26, $0x1;
	_ =	strace $0x80000046;
	[dreg:$0x1] =	wrdreg $0xFFFFFFFF  }
0xa7: {  	s28 =	simm.s32 $_size_execute0_lowered;
	s3 =	sadd.s32 s3, s5;
	[dreg:$0x0] =	wrdreg $0x0  }
0xa8: {  	s5 =	sshll.u32 s28, $0x1;
	[dreg:$0x2] =	wrdreg s3  }
0xa9: {  	[dreg:$0x3] =	wrdreg s5  }
0xaa: {  	[dreg:$0x4] =	wrdreg $0xC0  }
0xab: {  	_ =	task [dreg:s7], $0x5FFFF  }
0xac: {  	[dreg:$0x1] =	wrdreg $0xFFFFFFFF  }
0xad: {  	[dreg:$0x0] =	wrdreg $0x60  }
0xae: {  	[dreg:$0x2] =	wrdreg s2  }
0xaf: {  	[dreg:$0x3] =	wrdreg s24  }
0xb0: {  	[dreg:$0x4] =	wrdreg $0x0  }
0xb1: {  	[dreg:$0x5] =	wrdreg $0x9  }
0xb2: {  	_ =	task.clear_ibuf [dreg:s7], $0x6FFFF;
	_ =	strace $0x90000046  }
0xb3: {  	s29 =	simm.s32 $0x9;
	_ =	strace $0x80000048  }
0xb4: {  	_ =	swait.ge [sflag:s29], $0x1  }
0xb5: {  	[sflag:s29] =	ssyncadd.s32 $0xFFFFFFFF  }
0xb6: {  	_ =	strace $0x90000048  }
0xb7: {  	_ =	sfence  }
0xb8: {  	s30 =	sld [smem:$0x0];
	_ =	sdelay $0x2  }
0xb9: {  	s31 =	sshll.u32 s1, $0xD;
	s1 =	sshrl.u32 s1, $0x2  }
0xba: {  	s3 =	sand.u32 $0x4000, s31;
	s1 =	sadd.s32 s1, s30  }
0xbb: {  	s0 =	sor.u32 s3, s0;
	s1 =	sshll.u32 s1, $0x11  }
0xbc: {  	s0 =	sor.u32 s1, s0  }
0xbd: {  	s0 =	sadd.s32 $0x8F2B, s0  }
0xbe: {  	[sflag:s0] =	ssyncadd.remote.s32 $0x1  }
0xbf: {  	_ =	sfence.sel $0xFFFF  }
0xc0: {  	[dreg:$0x0] =	wrdreg $0xFFFFFFFF;
	(pc) =	sbr.abs _section_cstart, $3  }
0xc1: {  	[dreg:$0x1] =	wrdreg $0xFFFFFFFF  }
0xc2: {  	_ =	task.clear_ibuf [dreg:s7], $0x2FFFF;
	_ =	strace $0x9FFFFFFF  }
0xc3: {  	(tm) =	ssettm $0x7FFFFFFF  }
tec
execute0_lowered:
.L_overlay_start_1:
0x0: {  	(tag) =	ssettag $0x1  }
0x1: {  	s1 =	rddreg [dreg:$0x0]  }
0x2: {  	s0 =	rddreg [dreg:$0x1]  }
0x3: {  	s2 =	rddreg [dreg:$0x2]  }
0x4: {  	s4 =	simm.s32 $0x0;
	s3 =	srdreg.scid;
	s13 =	stileid.u32  }
0x5: {  	s18 =	simm.s32 $0x9D;
	s28 =	simm.s32 $0x14100;
	s29 =	simm.s32 $0x16100  }
0x6: {  	s30 =	simm.s32 $0x18100;
	s31 =	simm.s32 $0x1;
	s9 =	smul.u32 $0x14000, s13  }
0x7: {  	[smem:$0x7FF] =	sst s4;
	s5 =	sadd.s32 $0x4F8200, s0;
	s10 =	smul.u32 $0x50000, s13  }
0x8: {  	s3 =	sand.u32 $0x1, s3;
	s6 =	sadd.s32 $0x4EE400, s0;
	s7 =	sadd.s32 $0x4E4600, s0  }
0x9: {  	p0 =	slt.u32 s13, $0x4;
	s26 =	sshll.u32 s13, $0x7;
	s8 =	smul.u32 $0x140000, s3  }
0xa: {  	_ =	strace $0x80000047;
	s20 =	ssub.s32 $0x2, s3;
	s3 =	sshll.u32 s3, $0x6  }
0xb: {  	s18 =	simm.s32 @!p0 $0x9C;
	s10 =	sshrl.u32 s10, $0x2;
	s8 =	sadd.s32 s9, s8  }
0xc: {  	s12 =	sshrl.u32 s20, $0x1;
	s11 =	sshrl.u32 s8, $0x3;
	s8 =	sadd.s32 s10, s2  }
0xd: {  	s19 =	sor.u32 s3, s26;
	s26 =	simm.s32 $0x40;
	s10 =	sadd.s32 $0x2000, s8  }
0xe: {  	s3 =	simm.s32 $0x3;
	s21 =	sadd.s32 $0x4000, s8;
	[dreg:$0x4] =	wrdreg s10  }
0xf: {  	s9 =	ssub.s32 s20, s12;
	s22 =	sadd.s32 $0x6000, s8;
	[dreg:$0x5] =	wrdreg s21  }
0x10: {  	s0 =	sadd.s32 s11, s0;
	s23 =	sadd.s32 $0x8000, s8;
	[dreg:$0x6] =	wrdreg s22  }
0x11: {  	s24 =	sadd.s32 $0xA000, s8;
	s25 =	sadd.s32 $0xC000, s8;
	[dreg:$0x7] =	wrdreg s23  }
0x12: {  	s15 =	sadd.s32 $0xE000, s8;
	s16 =	sadd.s32 $0x10000, s8;
	[dreg:$0x8] =	wrdreg s24  }
0x13: {  	s17 =	sadd.s32 $0x12000, s8;
	[dreg:$0x9] =	wrdreg s25;
	s20 =	sadd.s32 $0x2600, s0  }
0x14: {  	v0 =	vimm.f32 $0.0e+00;
	vm0 =	vcmask $0x300;
	s21 =	smax.u32 s9, $0x1;
	s22 =	simm.s32 $0x1A100;
	s23 =	simm.s32 $0x4  }
0x15: {  	v1 =	vsel vm0, $0x3F800000, v0;
	s24 =	simm.s32 $0x14000;
	s25 =	simm.s32 $0x14080;
	s0 =	simm.s32 $0x2  }
.LBB2_1:
0x16: {  	s9 =	simm.s32 $0x0;
	s10 =	simm.s32 $0x200  }
.LBB2_2:
0x17: {  	p0 =	sne.s32 s10, $0x7E00;
	[tilespmem:s9+$0x1A170] =	vst v0  }
0x18: {  	[tilespmem:s9+$0x1A100] =	vst v0  }
0x19: {  	[tilespmem:s9+$0x1A110] =	vst v0  }
.Ltmp0:
0x1a: {  	[tilespmem:s9+$0x1A120] =	vst v0;
	(pc) =	sbr.rel @p0 .LBB2_2-.Ltmp0, $4  }
0x1b: {  	[tilespmem:s9+$0x1A130] =	vst v0  }
0x1c: {  	[tilespmem:s9+$0x1A140] =	vst v0  }
0x1d: {  	[tilespmem:s9+$0x1A150] =	vst v0  }
0x1e: {  	[tilespmem:s9+$0x1A160] =	vst v0;
	s9 =	sshra.s32 s10, $0x2;
	s10 =	sadd.s32 $0x200, s10  }
0x1f: {  	[tilespmem:s9+$0x1A170] =	vst v0  }
0x20: {  	[tilespmem:s9+$0x1A100] =	vst v0  }
0x21: {  	[tilespmem:s9+$0x1A110] =	vst v0  }
0x22: {  	[tilespmem:s9+$0x1A120] =	vst v0  }
0x23: {  	[tilespmem:s9+$0x1A130] =	vst v0  }
0x24: {  	[tilespmem:s9+$0x1A140] =	vst v0  }
0x25: {  	[tilespmem:s9+$0x1A150] =	vst v0  }
0x26: {  	[tilespmem:s9+$0x1A160] =	vst v0  }
0x27: {  	[spmem:s8] =	stream.linear.scatter [tilespmem:s22], [sflag:$0x4], $0x2000, $0x38;
	[tilespmem:$0x1C100] =	vst v63  }
0x28: {  	_ =	swait.ge [sflag:s23], $0x2000  }
0x29: {  	[sflag:s23] =	ssyncset.done $0x0  }
0x2a: {  	s14 =	rddreg [dreg:$0x4];
	[sflag:s23] =	ssyncadd.s32 $0xFFFFE000  }
0x2b: {  	[spmem:s14] =	stream.linear.scatter [tilespmem:s22], [sflag:$0x4], $0x2000, $0x38;
	[tilespmem:$0x1C100] =	vst v63  }
0x2c: {  	_ =	swait.ge [sflag:s23], $0x2000  }
0x2d: {  	[sflag:s23] =	ssyncset.done $0x0  }
0x2e: {  	s10 =	rddreg [dreg:$0x5];
	[sflag:s23] =	ssyncadd.s32 $0xFFFFE000  }
0x2f: {  	[spmem:s10] =	stream.linear.scatter [tilespmem:s22], [sflag:$0x4], $0x2000, $0x38;
	[tilespmem:$0x1C100] =	vst v63  }
0x30: {  	_ =	swait.ge [sflag:s23], $0x2000  }
0x31: {  	[sflag:s23] =	ssyncset.done $0x0  }
0x32: {  	s11 =	rddreg [dreg:$0x6];
	[sflag:s23] =	ssyncadd.s32 $0xFFFFE000  }
0x33: {  	[spmem:s11] =	stream.linear.scatter [tilespmem:s22], [sflag:$0x4], $0x2000, $0x38;
	[tilespmem:$0x1C100] =	vst v63  }
0x34: {  	_ =	swait.ge [sflag:s23], $0x2000  }
0x35: {  	[sflag:s23] =	ssyncset.done $0x0  }
0x36: {  	s12 =	rddreg [dreg:$0x7];
	[sflag:s23] =	ssyncadd.s32 $0xFFFFE000  }
0x37: {  	[spmem:s12] =	stream.linear.scatter [tilespmem:s22], [sflag:$0x4], $0x2000, $0x38;
	[tilespmem:$0x1C100] =	vst v63  }
0x38: {  	_ =	swait.ge [sflag:s23], $0x2000  }
0x39: {  	[sflag:s23] =	ssyncset.done $0x0  }
0x3a: {  	s13 =	rddreg [dreg:$0x8];
	[sflag:s23] =	ssyncadd.s32 $0xFFFFE000  }
0x3b: {  	[spmem:s13] =	stream.linear.scatter [tilespmem:s22], [sflag:$0x4], $0x2000, $0x38;
	[tilespmem:$0x1C100] =	vst v63  }
0x3c: {  	_ =	swait.ge [sflag:s23], $0x2000  }
0x3d: {  	[sflag:s23] =	ssyncset.done $0x0  }
0x3e: {  	s14 =	rddreg [dreg:$0x9];
	[sflag:s23] =	ssyncadd.s32 $0xFFFFE000  }
0x3f: {  	[spmem:s14] =	stream.linear.scatter [tilespmem:s22], [sflag:$0x4], $0x2000, $0x38;
	[tilespmem:$0x1C100] =	vst v63  }
0x40: {  	_ =	swait.ge [sflag:s23], $0x2000  }
0x41: {  	[sflag:s23] =	ssyncset.done $0x0  }
0x42: {  	[sflag:s23] =	ssyncadd.s32 $0xFFFFE000  }
0x43: {  	[spmem:s15] =	stream.linear.scatter [tilespmem:s22], [sflag:$0x4], $0x2000, $0x38;
	[tilespmem:$0x1C100] =	vst v63  }
0x44: {  	_ =	swait.ge [sflag:s23], $0x2000  }
0x45: {  	[sflag:s23] =	ssyncset.done $0x0  }
0x46: {  	[sflag:s23] =	ssyncadd.s32 $0xFFFFE000  }
0x47: {  	[spmem:s16] =	stream.linear.scatter [tilespmem:s22], [sflag:$0x4], $0x2000, $0x38;
	[tilespmem:$0x1C100] =	vst v63  }
0x48: {  	_ =	swait.ge [sflag:s23], $0x2000  }
0x49: {  	[sflag:s23] =	ssyncset.done $0x0  }
0x4a: {  	[sflag:s23] =	ssyncadd.s32 $0xFFFFE000  }
0x4b: {  	[spmem:s17] =	stream.linear.scatter [tilespmem:s22], [sflag:$0x4], $0x2000, $0x38;
	[tilespmem:$0x1C100] =	vst v63  }
0x4c: {  	_ =	swait.ge [sflag:s23], $0x2000  }
0x4d: {  	[sflag:s23] =	ssyncset.done $0x0  }
0x4e: {  	s9 =	simm.s32 $0x0;
	[sflag:s23] =	ssyncadd.s32 $0xFFFFE000  }
0x4f: {  	s10 =	simm.s32 $0x200;
	s11 =	simm.s32 $0x0;
	[bflag:$0x0] =	sbarrier.arrive $0xFFFF  }
.LBB2_4:
0x50: {  	p0 =	sne.s32 s10, $0x7E00;
	[tilespmem:s11+$0x1A140] =	vst v1;
	s11 =	smov.u32 s10;
	s10 =	sadd.s32 $0x200, s10  }
.Ltmp1:
0x51: {  	(pc) =	sbr.rel @p0 .LBB2_4-.Ltmp1, $2  }
0x52: {  	_ =	sdelay $0x2  }
0x53: {  	s11 =	sshra.s32 s11, $0x2  }
0x54: {  	[tilespmem:s11+$0x1A140] =	vst v1  }
.LBB2_6:
0x55: {  	s10 =	sshll.u32 s9, $0xB  }
0x56: {  	s10 =	sor.u32 s19, s10  }
0x57: {  	s11 =	sshrl.u32 s10, $0x3  }
0x58: {  	s13 =	simm.s32 $0x0;
	s12 =	sadd.s32 s6, s11  }
0x59: {  	[tilespmem:s24], [sflag:$0x4] =	stream.linear.gather [hbm4b:s12+s13], $0x40, $0x38;
	[tilespmem:$0x1C100] =	vst v63  }
0x5a: {  	_ =	swait.ge [sflag:s23], $0x40  }
0x5b: {  	[sflag:s23] =	ssyncset.done $0x0  }
0x5c: {  	s11 =	sadd.s32 s7, s11;
	[sflag:s23] =	ssyncadd.s32 $0xFFFFFFC0  }
0x5d: {  	[tilespmem:s25], [sflag:$0x4] =	stream.linear.gather [hbm4b:s11+s13], $0x40, $0x38;
	[tilespmem:$0x1C100] =	vst v63  }
0x5e: {  	_ =	swait.ge [sflag:s23], $0x40  }
0x5f: {  	[sflag:s23] =	ssyncset.done $0x0  }
0x60: {  	[sflag:s23] =	ssyncadd.s32 $0xFFFFFFC0  }
0x61: {  	[tilespmem:s28], [sflag:$0x1] =	stream.indirect.gather [hbm4b:s1+s26], $0x80, s24, s26, $0xb8;
	[tilespmem:$0x1C100] =	vst v63  }
0x62: {  	s10 =	sshll.u32 s10, $0x4  }
0x63: {  	[tilespmem:s29], [sflag:$0x2] =	stream.indirect.gather [hbm4b:s1+s26], $0x80, s25, s26, $0xb8;
	[tilespmem:$0x1C100] =	vst v63  }
0x64: {  	s10 =	sadd.s32 s5, s10  }
0x65: {  	[tilespmem:s30], [sflag:$0x3] =	stream.linear.gather [hbm4b:s10+s13], $0x2000, $0x38;
	[tilespmem:$0x1C100] =	vst v63  }
0x66: {  	_ =	swait.ge [sflag:s31], $0x2000  }
0x67: {  	[sflag:s31] =	ssyncset.done $0x0  }
0x68: {  	[sflag:s31] =	ssyncadd.s32 $0xFFFFE000  }
0x69: {  	_ =	swait.ge [sflag:s0], $0x2000  }
0x6a: {  	[sflag:s0] =	ssyncset.done $0x0  }
0x6b: {  	[sflag:s0] =	ssyncadd.s32 $0xFFFFE000  }
0x6c: {  	_ =	swait.ge [sflag:s3], $0x2000  }
0x6d: {  	[sflag:s3] =	ssyncset.done $0x0  }
0x6e: {  	s11 =	simm.s32 $0x0;
	[sflag:s3] =	ssyncadd.s32 $0xFFFFE000  }
0x6f: {  	v2 =	vld [tilespmem:s11+$0x14130]  }
0x70: {  	v3 =	vld [tilespmem:s11+$0x16170]  }
0x71: {  	v4 =	vld [tilespmem:s11+$0x14100]  }
0x72: {  	v5 =	vld [tilespmem:s11+$0x18130]  }
0x73: {  	v6 =	vld [tilespmem:s11+$0x16140]  }
0x74: {  	v7 =	vld [tilespmem:s11+$0x14110]  }
0x75: {  	v8 =	vld [tilespmem:s11+$0x16150]  }
0x76: {  	v9 =	vld [tilespmem:s11+$0x16160];
	v2 =	vadd.f32 v3, v2  }
0x77: {  	v10 =	vld [tilespmem:s11+$0x18110]  }
0x78: {  	v3 =	vld [tilespmem:s11+$0x14120];
	v14 =	vadd.f32 v5, v2  }
0x79: {  	v2 =	vld [tilespmem:s11+$0x18100]  }
0x7a: {  	s10 =	simm.s32 $0x80;
	v11 =	vld [tilespmem:s11+$0x18120];
	v5 =	vmul.f32 $1.442695020e+00, v14  }
0x7b: {  	v12 =	vld [tilespmem:s10+$0x14130]  }
0x7c: {  	v4 =	vadd.f32 v6, v4;
	v6 =	vld [tilespmem:s10+$0x16170];
	(erf) = vpow2.f32 v5  }
0x7d: {  	v7 =	vadd.f32 v8, v7;
	v3 =	vadd.f32 v9, v3  }
0x7e: {  	v13 =	vld [tilespmem:s10+$0x14100];
	v5 =	vadd.f32 v2, v4  }
0x7f: {  	v8 =	vld [tilespmem:s10+$0x18130];
	v2 =	vadd.f32 v10, v7;
	v4 =	vadd.f32 v11, v3  }
0x80: {  	v15 =	vld [tilespmem:s10+$0x16150];
	v7 =	vmul.f32 $1.442695020e+00, v5  }
0x81: {  	v9 =	vld [tilespmem:s10+$0x16140];
	v10 =	vadd.f32 v6, v12;
	v3 =	vmul.f32 $1.442695020e+00, v2;
	v12 =	vmul.f32 $1.442695020e+00, v4  }
0x82: {  	v11 =	vld [tilespmem:s10+$0x14110];
	(erf) = vpow2.f32 v7  }
0x83: {  	v6 =	vld [tilespmem:s10+$0x14120];
	(erf) = vpow2.f32 v3  }
0x84: {  	v7 =	vld [tilespmem:s10+$0x16160];
	v3 =	vadd.f32 v8, v10;
	(erf) = vpow2.f32 v12  }
0x85: {  	vm4 =	vgt.f32 v14, $0.0e+00;
	vm0 =	vgt.f32 v5, $0.0e+00;
	vm3 =	vgt.f32 v2, $0.0e+00;
	v8 =	vld [tilespmem:s10+$0x18100];
	v12 =	vpop (erf)  }
0x86: {  	vm1 =	vgt.f32 v4, $0.0e+00;
	v10 =	vld [tilespmem:s10+$0x18110];
	v16 =	vmul.f32 $1.442695020e+00, v3;
	v17 =	vadd.f32 $-1.000000000e+00, v12  }
0x87: {  	s12 =	simm.s32 $0x100;
	v9 =	vadd.f32 v9, v13;
	vm2 =	vmmov vm0;
	vm0 =	vmmov vm3;
	v12 =	vld [tilespmem:s10+$0x18120]  }
0x88: {  	s13 =	simm.s32 $0x600;
	v13 =	vadd.f32 v15, v11;
	v11 =	vld [tilespmem:s12+$0x14130];
	(erf) = vpow2.f32 v16;
	v14 =	vsel vm4, v14, v17  }
.LBB2_7:
0x89: {  	p0 =	sne.s32 s13, $0x7E00;
	v15 =	vld [tilespmem:s12+$0x16170];
	v18 =	vadd.f32 v7, v6;
	[tilespmem:s11+$0x1A130] =	vst v14;
	vm3 =	vmmov vm1;
	s14 =	smov.u32 s12  }
0x8a: {  	v14 =	vld [tilespmem:s14+$0x14100];
	v16 =	vadd.f32 v8, v9  }
0x8b: {  	v8 =	vld [tilespmem:s14+$0x18130];
	v13 =	vadd.f32 v10, v13;
	v7 =	vpop (erf)  }
0x8c: {  	v9 =	vld [tilespmem:s14+$0x16140];
	v10 =	vmul.f32 $1.442695020e+00, v16;
	v17 =	vadd.f32 v12, v18;
	v12 =	vadd.f32 $-1.000000000e+00, v7;
	v6 =	vpop (erf)  }
0x8d: {  	vm4 =	vgt.f32 v16, $0.0e+00;
	v18 =	vld [tilespmem:s14+$0x14110];
	v7 =	vmul.f32 $1.442695020e+00, v13;
	v19 =	vadd.f32 $-1.000000000e+00, v6;
	v20 =	vpop (erf)  }
0x8e: {  	v21 =	vld [tilespmem:s14+$0x16150];
	v23 =	vadd.f32 v15, v11;
	v15 =	vmul.f32 $1.442695020e+00, v17;
	(erf) = vpow2.f32 v10  }
0x8f: {  	vm5 =	vgt.f32 v13, $0.0e+00;
	v20 =	vadd.f32 $-1.000000000e+00, v20;
	v6 =	vld [tilespmem:s14+$0x14120];
	(erf) = vpow2.f32 v7  }
.Ltmp2:
0x90: {  	vm1 =	vgt.f32 v17, $0.0e+00;
	v7 =	vld [tilespmem:s14+$0x16160];
	v22 =	vadd.f32 v8, v23;
	(erf) = vpow2.f32 v15;
	(pc) =	sbr.rel @p0 .LBB2_7-.Ltmp2, $4  }
0x91: {  	v12 =	vsel vm2, v5, v12;
	v9 =	vadd.f32 v9, v14;
	v8 =	vld [tilespmem:s14+$0x18100];
	v11 =	vpop (erf);
	v14 =	vsel vm0, v2, v19  }
0x92: {  	v5 =	vmovc v16;
	v20 =	vsel vm3, v4, v20;
	v2 =	vmovc v13;
	v10 =	vld [tilespmem:s14+$0x18110];
	v15 =	vmul.f32 $1.442695020e+00, v22;
	v19 =	vadd.f32 $-1.000000000e+00, v11;
	[tilespmem:s11+$0x1A100] =	vst v12  }
0x93: {  	s12 =	sshra.s32 s13, $0x2;
	vm2 =	vmmov vm4;
	v4 =	vmovc v17;
	vm0 =	vgt.f32 v3, $0.0e+00;
	v13 =	vadd.f32 v21, v18;
	v12 =	vld [tilespmem:s14+$0x18120];
	[tilespmem:s11+$0x1A110] =	vst v14  }
0x94: {  	s13 =	sadd.s32 $0x200, s13;
	v11 =	vld [tilespmem:s12+$0x14130];
	(erf) = vpow2.f32 v15;
	v14 =	vsel vm0, v3, v19;
	[tilespmem:s11+$0x1A120] =	vst v20;
	v3 =	vmovc v22;
	vm0 =	vmmov vm5;
	s11 =	smov.u32 s10;
	s10 =	smov.u32 s14  }
0x95: {  	v15 =	vld [tilespmem:s12+$0x16170];
	[tilespmem:s11+$0x1A130] =	vst v14  }
0x96: {  	v14 =	vld [tilespmem:s12+$0x14100]  }
0x97: {  	v16 =	vld [tilespmem:s12+$0x18130]  }
0x98: {  	v17 =	vld [tilespmem:s12+$0x16140]  }
0x99: {  	v18 =	vld [tilespmem:s12+$0x14110]  }
0x9a: {  	v19 =	vld [tilespmem:s12+$0x16150];
	v20 =	vpop (erf)  }
0x9b: {  	v21 =	vld [tilespmem:s12+$0x14120];
	v20 =	vadd.f32 $-1.000000000e+00, v20  }
0x9c: {  	v22 =	vld [tilespmem:s12+$0x16160];
	v8 =	vadd.f32 v8, v9  }
0x9d: {  	v23 =	vld [tilespmem:s12+$0x18100];
	v5 =	vsel vm2, v5, v20  }
0x9e: {  	v6 =	vadd.f32 v7, v6;
	v35 =	vld [tilespmem:s12+$0x18110];
	v40 =	vmul.f32 $1.442695020e+00, v8;
	[tilespmem:s11+$0x1A100] =	vst v5  }
0x9f: {  	v36 =	vadd.f32 v10, v13;
	v38 =	vadd.f32 v15, v11;
	v39 =	vld [tilespmem:s12+$0x18120]  }
0xa0: {  	v37 =	vadd.f32 v12, v6;
	(erf) = vpow2.f32 v40;
	v42 =	vadd.f32 v17, v14  }
0xa1: {  	v41 =	vmul.f32 $1.442695020e+00, v36;
	v44 =	vadd.f32 v19, v18;
	v6 =	vadd.f32 v16, v38  }
0xa2: {  	v43 =	vmul.f32 $1.442695020e+00, v37;
	v45 =	vadd.f32 v22, v21;
	v13 =	vadd.f32 v23, v42  }
0xa3: {  	(erf) = vpow2.f32 v41;
	v7 =	vadd.f32 v35, v44;
	v46 =	vmul.f32 $1.442695020e+00, v6  }
0xa4: {  	(erf) = vpow2.f32 v43;
	v47 =	vmul.f32 $1.442695020e+00, v13;
	v10 =	vadd.f32 v39, v45  }
0xa5: {  	v50 =	vpop (erf);
	v48 =	vmul.f32 $1.442695020e+00, v7;
	(erf) = vpow2.f32 v46  }
0xa6: {  	v52 =	vpop (erf);
	(erf) = vpow2.f32 v47;
	v49 =	vmul.f32 $1.442695020e+00, v10  }
0xa7: {  	v51 =	vadd.f32 $-1.000000000e+00, v50;
	v53 =	vpop (erf);
	(erf) = vpow2.f32 v48  }
0xa8: {  	v54 =	vadd.f32 $-1.000000000e+00, v53;
	(erf) = vpow2.f32 v49  }
0xa9: {  	vm14 =	vgt.f32 v3, $0.0e+00;
	vm13 =	vgt.f32 v8, $0.0e+00;
	v2 =	vsel vm0, v2, v51;
	v55 =	vpop (erf)  }
0xaa: {  	v14 =	vadd.f32 $-1.000000000e+00, v52;
	[tilespmem:s11+$0x1A110] =	vst v2;
	v2 =	vsel vm14, v3, v54;
	v3 =	vadd.f32 $-1.000000000e+00, v55  }
0xab: {  	vm1 =	vmmov vm1;
	vm3 =	vgt.f32 v36, $0.0e+00;
	vm15 =	vmmov vm13  }
0xac: {  	vm4 =	vgt.f32 v37, $0.0e+00;
	v4 =	vsel vm1, v4, v14;
	v56 =	vpop (erf);
	v3 =	vsel vm15, v8, v3  }
0xad: {  	vm8 =	vmmov vm3;
	vm9 =	vmmov vm4;
	[tilespmem:s11+$0x1A120] =	vst v4;
	v57 =	vpop (erf);
	v58 =	vadd.f32 $-1.000000000e+00, v56  }
0xae: {  	vm13 =	vgt.f32 v6, $0.0e+00;
	vm10 =	vgt.f32 v13, $0.0e+00;
	[tilespmem:s10+$0x1A130] =	vst v2;
	v2 =	vadd.f32 $-1.000000000e+00, v57;
	v59 =	vpop (erf)  }
0xaf: {  	vm11 =	vgt.f32 v7, $0.0e+00;
	v4 =	vsel vm8, v36, v58;
	[tilespmem:s10+$0x1A100] =	vst v3;
	v60 =	vadd.f32 $-1.000000000e+00, v59;
	v3 =	vpop (erf)  }
0xb0: {  	vm14 =	vmmov vm10;
	v2 =	vsel vm9, v37, v2;
	[tilespmem:s10+$0x1A110] =	vst v4;
	v3 =	vadd.f32 $-1.000000000e+00, v3;
	v61 =	vpop (erf)  }
0xb1: {  	vm12 =	vgt.f32 v10, $0.0e+00;
	[tilespmem:s10+$0x1A120] =	vst v2;
	v62 =	vsel vm13, v6, v60;
	v2 =	vadd.f32 $-1.000000000e+00, v61;
	v63 =	vpop (erf)  }
0xb2: {  	vm15 =	vmmov vm11;
	[tilespmem:s12+$0x1A130] =	vst v62;
	v3 =	vsel vm14, v13, v3;
	v4 =	vadd.f32 $-1.000000000e+00, v63  }
0xb3: {  	s9 =	sadd.s32 $0x1, s9;
	vm1 =	vmmov vm12;
	v2 =	vsel vm15, v7, v2;
	[tilespmem:s12+$0x1A100] =	vst v3  }
0xb4: {  	p0 =	sne.s32 s9, s18;
	[tilespmem:s12+$0x1A110] =	vst v2;
	v3 =	vsel vm1, v10, v4  }
.Ltmp3:
0xb5: {  	[tilespmem:s12+$0x1A120] =	vst v3;
	(pc) =	sbr.rel @p0 .LBB2_6-.Ltmp3, $4  }
0xb6: {  	[spmem:s2] =	stream.indirect.scatter.add.f32 [tilespmem:s22], [sflag:$0x4], $0x80, s25, s26, $0xb8;
	[tilespmem:$0x1C100] =	vst v63  }
0xb7: {  	_ =	swait.ge [sflag:s23], $0x2000  }
0xb8: {  	[sflag:s23] =	ssyncset.done $0x0  }
0xb9: {  	[sflag:s23] =	ssyncadd.s32 $0xFFFFE000  }
0xba: {  	s9 =	stileid.u32;
	s4 =	sadd.s32 $0x1, s4  }
0xbb: {  	[bflag:$0x0] =	sbarrier.arrive $0xFFFF;
	s9 =	sshll.u32 s9, $0x6;
	p0 =	sne.s32 s4, s21  }
.Ltmp4:
0xbc: {  	s10 =	sshrl.u32 s8, $0x3;
	s9 =	sor.u32 $0x1C04, s9;
	(pc) =	sbr.rel @p0 .LBB2_1-.Ltmp4, $4  }
0xbd: {  	[hbm:s20], [sflag:s9] =	dma.local [spmem:s10], $0x2800  }
0xbe: {  	_ =	swait.ge [sflag:s23], $0x2800  }
0xbf: {  	[sflag:s23] =	ssyncset.done $0x0  }
0xc0: {  	[sflag:s23] =	ssyncadd.s32 $0xFFFFD800  }
0xc1: {  	_ =	sfence.sel $0x180000  }
0xc2: {  	[bflag:$0x0] =	sbarrier.arrive $0xFFFF  }
0xc3: {  	_ =	strace $0x90000047  }
0xc4: {  	s0 =	stileid.u32;
	[bflag:$0x2] =	sbarrier.arrive $0xFFFF  }
0xc5: {  	p0 =	sne.s32 s0, $0x0;
	s0 =	rddreg [dreg:$0x3]  }
0xc6: {  	s0 =	sadd.s32 @!p0 $0x100000, s0  }
0xc7: {  	[sflag:s0] =	ssyncadd.tile.s32 @!p0 $0x1;
	_ =	shalt  }
.Lfunc_end2:
_tile_overlayer_lowered:
.L_overlay_start_2:
0xc8: {  	(tag) =	ssettag $0x2  }
0xc9: {  	s0 =	rddreg [dreg:$0x0];
	s2 =	stileid.u32  }
0xca: {  	s1 =	rddreg [dreg:$0x1];
	p0 =	sne.s32 s2, $0x0  }
0xcb: {  	s3 =	rddreg [dreg:$0x2];
	[bflag:$0x3] =	sbarrier.arrive $0xFFFF;
	s2 =	simm.s32 @!p0 $0x1C04  }
0xcc: {  	[timem:s3], [sflag:s2] =	dma.local @!p0 [hbm:s0], s1  }
0xcd: {  	s0 =	simm.s32 @!p0 $0x4  }
0xce: {  	_ =	swait.ge @!p0 [sflag:s0], s1  }
0xcf: {  	s1 =	ssub.s32 @!p0 $0x0, s1;
	[sflag:s0] =	ssyncset.done @!p0 $0x0  }
0xd0: {  	[sflag:s0] =	ssyncadd.s32 @!p0 s1  }
0xd1: {  	[bflag:$0x3] =	sbarrier.arrive $0xFFFF  }
0xd2: {  	_ =	shalt  }

</sc_bundles>
